<compile_context>
chip_gen: v7x
topology: tpu7x:2x2x1
jax: 0.10.2.dev20260603
libtpu: 0.0.44.dev20260713+nightly
codegen_flags: <defaults>
</compile_context>

<pallas_src>
import functools

import jax
import jax.numpy as jnp
from jax import lax
from jax.experimental import pallas as pl
from jax.experimental.pallas import tpu as pltpu
from jax.experimental.pallas import tpu_sc as plsc

H = 128
LANES = 16
NCOL = H // LANES
T = 128
EPS = 1e-12

_GATHER_DNUMS = lax.GatherDimensionNumbers(
    offset_dims=(), collapsed_slice_dims=(0,), start_index_map=(0,))


def _lane_perm(v, idx):
    return lax.gather(
        v, idx[:, None], _GATHER_DNUMS, (1,),
        indices_are_sorted=False, unique_indices=False,
        mode=lax.GatherScatterMode.PROMISE_IN_BOUNDS)


def _bcast_sum(v):
    idx = lax.iota(jnp.int32, LANES)
    for k in (1, 2, 4, 8):
        v = v + _lane_perm(v, idx ^ k)
    return v


def _rsqrt(x):
    i = lax.bitcast_convert_type(x, jnp.int32)
    y = lax.bitcast_convert_type(jnp.int32(0x5F3759DF) - (i >> 1), jnp.float32)
    for _ in range(2):
        y = y * (1.5 - 0.5 * x * y * y)
    return y


def kernel(input_ids, table, gamma, beta):
    B, S = input_ids.shape
    N = B * S

    info = plsc.get_sparse_core_info()
    NC, NS = info.num_cores, info.num_subcores
    NW = NC * NS
    per_w = N // NW
    nchunk = per_w // T
    ids3 = input_ids.reshape(NW, nchunk, T)

    mesh = plsc.VectorSubcoreMesh(core_axis_name="c", subcore_axis_name="s")

    @functools.partial(
        pl.kernel,
        mesh=mesh,
        out_type=jax.ShapeDtypeStruct((N, H), jnp.float32),
        scratch_types=[
            pltpu.VMEM((nchunk, T), jnp.int32),
            pltpu.VMEM((3, T, H), jnp.float32),
            pltpu.VMEM((H,), jnp.float32),
            pltpu.VMEM((H,), jnp.float32),
            pltpu.SemaphoreType.DMA((3,)),
            pltpu.SemaphoreType.DMA((3,)),
        ],
    )
    def _k(ids_hbm, table_hbm, gamma_hbm, beta_hbm, out_hbm,
           idx_v, rows_v, gamma_v, beta_v, gsem, osem):
        wid = lax.axis_index("s") * NC + lax.axis_index("c")
        base0 = wid * per_w
        pltpu.sync_copy(gamma_hbm, gamma_v)
        pltpu.sync_copy(beta_hbm, beta_v)
        pltpu.sync_copy(ids_hbm.at[wid], idx_v)

        pltpu.async_copy(table_hbm.at[idx_v.at[0]], rows_v.at[0], gsem.at[0])

        gvecs = tuple(gamma_v[pl.ds(LANES * c, LANES)] for c in range(NCOL))
        bvecs = tuple(beta_v[pl.ds(LANES * c, LANES)] for c in range(NCOL))

        def one_token(rows_b, t, gv, bv):
            xs = [rows_b[t, pl.ds(LANES * c, LANES)] for c in range(NCOL)]
            s = xs[0]
            ss = xs[0] * xs[0]
            for c in range(1, NCOL):
                s = s + xs[c]
                ss = ss + xs[c] * xs[c]
            m = _bcast_sum(s) * (1.0 / H)
            var = _bcast_sum(ss) * (1.0 / H) - m * m
            r = _rsqrt(jnp.maximum(var, 0.0) + EPS)
            for c in range(NCOL):
                rows_b[t, pl.ds(LANES * c, LANES)] = (xs[c] - m) * (r * gv[c]) + bv[c]

        def out_copy(b, ci):
            return pltpu.make_async_copy(
                rows_v.at[b], out_hbm.at[pl.ds(base0 + ci * T, T)], osem.at[b])

        def chunk_body(ci, carry):
            gv, bv = carry
            b = lax.rem(ci, 3)
            nb = lax.rem(ci + 1, 3)
            rows_b = rows_v.at[b]

            @pl.when(ci >= 2)
            def _drain():
                out_copy(nb, ci - 2).wait()

            @pl.when(ci + 1 < nchunk)
            def _prefetch():
                pltpu.async_copy(
                    table_hbm.at[idx_v.at[ci + 1]], rows_v.at[nb], gsem.at[nb])

            pltpu.make_async_copy(
                table_hbm.at[idx_v.at[ci]], rows_b, gsem.at[b]).wait()

            @plsc.parallel_loop(0, T, unroll=2)
            def token_body(t):
                one_token(rows_b, t, gv, bv)
            pltpu.async_copy(
                rows_b, out_hbm.at[pl.ds(base0 + ci * T, T)], osem.at[b])
            return carry

        lax.fori_loop(0, nchunk, chunk_body, (gvecs, bvecs))
        out_copy((nchunk - 2) % 3, nchunk - 2).wait()
        out_copy((nchunk - 1) % 3, nchunk - 1).wait()

    out = _k(ids3, table, gamma, beta)
    return out.reshape(B, S, H)

# --- scband reference (transcript-rebuilt; emitter-appended) ---
"""Pipeline reference for scband-lstmembeddings-75033078661193 (READ-ONLY COPY).

The authoritative reference and input builder live on the scoring server;
editing this copy changes nothing except your own understanding.
"""

import jax, jax.numpy as jnp
import numpy as np

VOCAB = 100000
HIDDEN = 128
BATCH = 4096
SEQ = 200
EPS = 1e-12

def setup_inputs(seed: int = 0) -> dict:
    key = jax.random.key(seed)
    k1, k2, k3 = jax.random.split(key, 3)
    input_ids = jax.random.randint(k1, (BATCH, SEQ), 0, VOCAB, dtype=jnp.int64 if jax.config.jax_enable_x64 else jnp.int32).astype(jnp.int32)
    table = jax.random.normal(k2, (VOCAB, HIDDEN), dtype=jnp.float32) * 0.02
    # padding_idx=0: zero that row like nn.Embedding(padding_idx=0)
    table = table.at[0].set(0.0)
    gamma = jnp.ones((HIDDEN,), dtype=jnp.float32)
    beta = jnp.zeros((HIDDEN,), dtype=jnp.float32)
    return {"input_ids": input_ids, "table": table, "gamma": gamma, "beta": beta}

def reference(input_ids, table, gamma, beta):
    # word embedding lookup (gather)
    emb = jnp.take(table, input_ids, axis=0)  # [B, S, H]
    # LayerNorm over last dim, eps=1e-12
    mean = jnp.mean(emb, axis=-1, keepdims=True)
    var = jnp.mean(jnp.square(emb - mean), axis=-1, keepdims=True)
    normed = (emb - mean) / jnp.sqrt(var + EPS)
    out = normed * gamma + beta
    # Dropout in eval mode is identity
    return out

if __name__ == "__main__":
    import jax
    _d = setup_inputs()
    print(jax.jit(kernel)(*tuple(_d.values())))

</pallas_src>

<mosaic_0001>
#map = affine_map<(d0, d1) -> (0, 0, 0)>
#map1 = affine_map<(d0, d1) -> (0, 0)>
#map2 = affine_map<(d0, d1) -> (0)>
module attributes {stable_mosaic.version = 14 : i64} {
  func.func @_k(%arg0: i32, %arg1: i32, %arg2: memref<32x200x128xi32, #tpu.memory_space<hbm>>, %arg3: memref<100000x128xf32, #tpu.memory_space<hbm>>, %arg4: memref<128xf32, #tpu.memory_space<hbm>>, %arg5: memref<128xf32, #tpu.memory_space<hbm>>, %arg6: memref<819200x128xf32, #tpu.memory_space<hbm>>, %arg7: memref<200x128xi32, #tpu.memory_space<vmem>>, %arg8: memref<3x128x128xf32, #tpu.memory_space<vmem>>, %arg9: memref<128xf32, #tpu.memory_space<vmem>>, %arg10: memref<128xf32, #tpu.memory_space<vmem>>, %arg11: memref<3x!tpu.dma_semaphore, #tpu.memory_space<semaphore_mem>>, %arg12: memref<3x!tpu.dma_semaphore, #tpu.memory_space<semaphore_mem>>) attributes {dimension_semantics = [#tpu.dimension_semantics<core_parallel>, #tpu.dimension_semantics<subcore_parallel>], iteration_bounds = array<i64: 2, 16>, scalar_prefetch = 0 : i64, scratch_operands = 6 : i64, tpu.core_type = #tpu.core_type<sc_vector_subcore>, window_params = [{transform_indices = #map}, {transform_indices = #map1}, {transform_indices = #map2}, {transform_indices = #map2}, {transform_indices = #map1}]} {
    %mul3A = arith.constant 2 : i32
    %mul3A_0 = arith.muli %arg1, %mul3A : i32
    %add3A = arith.addi %mul3A_0, %arg0 : i32
    %mul3A_1 = arith.constant 25600 : i32
    %mul3A_2 = arith.muli %add3A, %mul3A_1 : i32
    "tpu.region"() ({
      %run_scoped3A = tpu.sem_alloc : memref<!tpu.dma_semaphore, #tpu.memory_space<semaphore_mem>>
      tpu.enqueue_dma source(%arg4 : memref<128xf32, #tpu.memory_space<hbm>>) target(%arg9 : memref<128xf32, #tpu.memory_space<vmem>>) target_semaphore(%run_scoped3A : memref<!tpu.dma_semaphore, #tpu.memory_space<semaphore_mem>>)
      tpu.wait_dma2 semaphore(%run_scoped3A : memref<!tpu.dma_semaphore, #tpu.memory_space<semaphore_mem>>) src(%arg4 : memref<128xf32, #tpu.memory_space<hbm>>) dst(%arg9 : memref<128xf32, #tpu.memory_space<vmem>>)
      tpu.yield
    }) : () -> ()
    "tpu.region"() ({
      %run_scoped3A = tpu.sem_alloc : memref<!tpu.dma_semaphore, #tpu.memory_space<semaphore_mem>>
      tpu.enqueue_dma source(%arg5 : memref<128xf32, #tpu.memory_space<hbm>>) target(%arg10 : memref<128xf32, #tpu.memory_space<vmem>>) target_semaphore(%run_scoped3A : memref<!tpu.dma_semaphore, #tpu.memory_space<semaphore_mem>>)
      tpu.wait_dma2 semaphore(%run_scoped3A : memref<!tpu.dma_semaphore, #tpu.memory_space<semaphore_mem>>) src(%arg5 : memref<128xf32, #tpu.memory_space<hbm>>) dst(%arg10 : memref<128xf32, #tpu.memory_space<vmem>>)
      tpu.yield
    }) : () -> ()
    "tpu.region"() ({
      %run_scoped3A = tpu.sem_alloc : memref<!tpu.dma_semaphore, #tpu.memory_space<semaphore_mem>>
      %dma_start3A_103 = arith.constant 0 : i32
      %dma_start3A_104 = arith.constant 0 : i32
      %dma_start3A_105 = tpu.memref_slice %arg2[%add3A, %dma_start3A_103, %dma_start3A_104] : memref<32x200x128xi32, #tpu.memory_space<hbm>> -> memref<1x200x128xi32, #tpu.memory_space<hbm>>
      %dma_start3A_106 = tpu.memref_squeeze %dma_start3A_105 : memref<1x200x128xi32, #tpu.memory_space<hbm>> -> memref<200x128xi32, #tpu.memory_space<hbm>>
      %dma_start3A_107 = arith.constant 0 : i32
      %dma_start3A_108 = arith.constant 0 : i32
      %dma_start3A_109 = tpu.memref_slice %arg2[%add3A, %dma_start3A_107, %dma_start3A_108] : memref<32x200x128xi32, #tpu.memory_space<hbm>> -> memref<1x200x128xi32, #tpu.memory_space<hbm>>
      %dma_start3A_110 = tpu.memref_squeeze %dma_start3A_109 : memref<1x200x128xi32, #tpu.memory_space<hbm>> -> memref<200x128xi32, #tpu.memory_space<hbm>>
      tpu.enqueue_dma source(%dma_start3A_110 : memref<200x128xi32, #tpu.memory_space<hbm>>) target(%arg7 : memref<200x128xi32, #tpu.memory_space<vmem>>) target_semaphore(%run_scoped3A : memref<!tpu.dma_semaphore, #tpu.memory_space<semaphore_mem>>)
      %dma_wait3A_111 = arith.constant 0 : i32
      %dma_wait3A_112 = arith.constant 0 : i32
      %dma_wait3A_113 = tpu.memref_slice %arg2[%add3A, %dma_wait3A_111, %dma_wait3A_112] : memref<32x200x128xi32, #tpu.memory_space<hbm>> -> memref<1x200x128xi32, #tpu.memory_space<hbm>>
      %dma_wait3A_114 = tpu.memref_squeeze %dma_wait3A_113 : memref<1x200x128xi32, #tpu.memory_space<hbm>> -> memref<200x128xi32, #tpu.memory_space<hbm>>
      %dma_wait3A_115 = arith.constant 0 : i32
      %dma_wait3A_116 = arith.constant 0 : i32
      %dma_wait3A_117 = tpu.memref_slice %arg2[%add3A, %dma_wait3A_115, %dma_wait3A_116] : memref<32x200x128xi32, #tpu.memory_space<hbm>> -> memref<1x200x128xi32, #tpu.memory_space<hbm>>
      %dma_wait3A_118 = tpu.memref_squeeze %dma_wait3A_117 : memref<1x200x128xi32, #tpu.memory_space<hbm>> -> memref<200x128xi32, #tpu.memory_space<hbm>>
      tpu.wait_dma2 semaphore(%run_scoped3A : memref<!tpu.dma_semaphore, #tpu.memory_space<semaphore_mem>>) src(%dma_wait3A_118 : memref<200x128xi32, #tpu.memory_space<hbm>>) dst(%arg7 : memref<200x128xi32, #tpu.memory_space<vmem>>)
      tpu.yield
    }) : () -> ()
    %dma_start3A = arith.constant 0 : i32
    %dma_start3A_3 = arith.constant 0 : i32
    %dma_start3A_4 = arith.constant 0 : i32
    %dma_start3A_5 = arith.constant 0 : i32
    %dma_start3A_6 = arith.constant 0 : i32
    %dma_start3A_7 = tpu.memref_slice %arg8[%dma_start3A_3, %dma_start3A_5, %dma_start3A_6] : memref<3x128x128xf32, #tpu.memory_space<vmem>> -> memref<1x128x128xf32, #tpu.memory_space<vmem>>
    %dma_start3A_8 = tpu.memref_squeeze %dma_start3A_7 : memref<1x128x128xf32, #tpu.memory_space<vmem>> -> memref<128x128xf32, #tpu.memory_space<vmem>>
    %dma_start3A_9 = arith.constant 0 : i32
    %dma_start3A_10 = tpu.memref_slice %arg7[%dma_start3A, %dma_start3A_9] : memref<200x128xi32, #tpu.memory_space<vmem>> -> memref<1x128xi32, #tpu.memory_space<vmem>>
    %dma_start3A_11 = tpu.memref_squeeze %dma_start3A_10 : memref<1x128xi32, #tpu.memory_space<vmem>> -> memref<128xi32, #tpu.memory_space<vmem>>
    %dma_start3A_12 = arith.constant 0 : i32
    %dma_start3A_13 = arith.constant 0 : i32
    %dma_start3A_14 = tpu.memref_slice %arg3[%dma_start3A_12, %dma_start3A_13] : memref<100000x128xf32, #tpu.memory_space<hbm>> -> memref<100000x128xf32, #tpu.memory_space<hbm>>
    %dma_start3A_15 = tpu.memref_slice %arg11[%dma_start3A_4] : memref<3x!tpu.dma_semaphore, #tpu.memory_space<semaphore_mem>> -> memref<1x!tpu.dma_semaphore, #tpu.memory_space<semaphore_mem>>
    %dma_start3A_16 = tpu.memref_squeeze %dma_start3A_15 : memref<1x!tpu.dma_semaphore, #tpu.memory_space<semaphore_mem>> -> memref<!tpu.dma_semaphore, #tpu.memory_space<semaphore_mem>>
    tpu.enqueue_indirect_dma source(%dma_start3A_14 : memref<100000x128xf32, #tpu.memory_space<hbm>>) target(%dma_start3A_8 : memref<128x128xf32, #tpu.memory_space<vmem>>) offsets(%dma_start3A_11 : memref<128xi32, #tpu.memory_space<vmem>>) semaphore(%dma_start3A_16 : memref<!tpu.dma_semaphore, #tpu.memory_space<semaphore_mem>>)
    %get3A = arith.constant 0 : index
    %get3A_17 = tpu.vector_load %arg9[%get3A] {strides = array<i32>} : memref<128xf32, #tpu.memory_space<vmem>>, vector<16xf32>,
    %get3A_18 = vector.shape_cast %get3A_17 : vector<16xf32> to vector<16xf32>
    %get3A_19 = arith.constant 16 : index
    %get3A_20 = tpu.vector_load %arg9[%get3A_19] {strides = array<i32>} : memref<128xf32, #tpu.memory_space<vmem>>, vector<16xf32>,
    %get3A_21 = vector.shape_cast %get3A_20 : vector<16xf32> to vector<16xf32>
    %get3A_22 = arith.constant 32 : index
    %get3A_23 = tpu.vector_load %arg9[%get3A_22] {strides = array<i32>} : memref<128xf32, #tpu.memory_space<vmem>>, vector<16xf32>,
    %get3A_24 = vector.shape_cast %get3A_23 : vector<16xf32> to vector<16xf32>
    %get3A_25 = arith.constant 48 : index
    %get3A_26 = tpu.vector_load %arg9[%get3A_25] {strides = array<i32>} : memref<128xf32, #tpu.memory_space<vmem>>, vector<16xf32>,
    %get3A_27 = vector.shape_cast %get3A_26 : vector<16xf32> to vector<16xf32>
    %get3A_28 = arith.constant 64 : index
    %get3A_29 = tpu.vector_load %arg9[%get3A_28] {strides = array<i32>} : memref<128xf32, #tpu.memory_space<vmem>>, vector<16xf32>,
    %get3A_30 = vector.shape_cast %get3A_29 : vector<16xf32> to vector<16xf32>
    %get3A_31 = arith.constant 80 : index
    %get3A_32 = tpu.vector_load %arg9[%get3A_31] {strides = array<i32>} : memref<128xf32, #tpu.memory_space<vmem>>, vector<16xf32>,
    %get3A_33 = vector.shape_cast %get3A_32 : vector<16xf32> to vector<16xf32>
    %get3A_34 = arith.constant 96 : index
    %get3A_35 = tpu.vector_load %arg9[%get3A_34] {strides = array<i32>} : memref<128xf32, #tpu.memory_space<vmem>>, vector<16xf32>,
    %get3A_36 = vector.shape_cast %get3A_35 : vector<16xf32> to vector<16xf32>
    %get3A_37 = arith.constant 112 : index
    %get3A_38 = tpu.vector_load %arg9[%get3A_37] {strides = array<i32>} : memref<128xf32, #tpu.memory_space<vmem>>, vector<16xf32>,
    %get3A_39 = vector.shape_cast %get3A_38 : vector<16xf32> to vector<16xf32>
    %get3A_40 = arith.constant 0 : index
    %get3A_41 = tpu.vector_load %arg10[%get3A_40] {strides = array<i32>} : memref<128xf32, #tpu.memory_space<vmem>>, vector<16xf32>,
    %get3A_42 = vector.shape_cast %get3A_41 : vector<16xf32> to vector<16xf32>
    %get3A_43 = arith.constant 16 : index
    %get3A_44 = tpu.vector_load %arg10[%get3A_43] {strides = array<i32>} : memref<128xf32, #tpu.memory_space<vmem>>, vector<16xf32>,
    %get3A_45 = vector.shape_cast %get3A_44 : vector<16xf32> to vector<16xf32>
    %get3A_46 = arith.constant 32 : index
    %get3A_47 = tpu.vector_load %arg10[%get3A_46] {strides = array<i32>} : memref<128xf32, #tpu.memory_space<vmem>>, vector<16xf32>,
    %get3A_48 = vector.shape_cast %get3A_47 : vector<16xf32> to vector<16xf32>
    %get3A_49 = arith.constant 48 : index
    %get3A_50 = tpu.vector_load %arg10[%get3A_49] {strides = array<i32>} : memref<128xf32, #tpu.memory_space<vmem>>, vector<16xf32>,
    %get3A_51 = vector.shape_cast %get3A_50 : vector<16xf32> to vector<16xf32>
    %get3A_52 = arith.constant 64 : index
    %get3A_53 = tpu.vector_load %arg10[%get3A_52] {strides = array<i32>} : memref<128xf32, #tpu.memory_space<vmem>>, vector<16xf32>,
    %get3A_54 = vector.shape_cast %get3A_53 : vector<16xf32> to vector<16xf32>
    %get3A_55 = arith.constant 80 : index
    %get3A_56 = tpu.vector_load %arg10[%get3A_55] {strides = array<i32>} : memref<128xf32, #tpu.memory_space<vmem>>, vector<16xf32>,
    %get3A_57 = vector.shape_cast %get3A_56 : vector<16xf32> to vector<16xf32>
    %get3A_58 = arith.constant 96 : index
    %get3A_59 = tpu.vector_load %arg10[%get3A_58] {strides = array<i32>} : memref<128xf32, #tpu.memory_space<vmem>>, vector<16xf32>,
    %get3A_60 = vector.shape_cast %get3A_59 : vector<16xf32> to vector<16xf32>
    %get3A_61 = arith.constant 112 : index
    %get3A_62 = tpu.vector_load %arg10[%get3A_61] {strides = array<i32>} : memref<128xf32, #tpu.memory_space<vmem>>, vector<16xf32>,
    %get3A_63 = vector.shape_cast %get3A_62 : vector<16xf32> to vector<16xf32>
    %scan3A = arith.constant 0 : i32
    %scan3A_64 = arith.constant 200 : i32
    %scan3A_65 = arith.addi %scan3A, %scan3A_64 : i32
    %scan3A_66 = arith.constant 1 : i32
    scf.for %scan3A_103 = %scan3A to %scan3A_65 step %scan3A_66  : i32 {
      %rem3A = arith.constant 3 : i32
      %rem3A_104 = arith.remsi %scan3A_103, %rem3A : i32
      %add3A_105 = arith.constant 1 : i32
      %add3A_106 = arith.addi %scan3A_103, %add3A_105 : i32
      %rem3A_107 = arith.constant 3 : i32
      %rem3A_108 = arith.remsi %add3A_106, %rem3A_107 : i32
      %ge3A = arith.constant 2 : i32
      %ge3A_109 = arith.cmpi sge, %scan3A_103, %ge3A : i32
      %convert_element_type3A = arith.extui %ge3A_109 : i1 to i32
      %cond3A = arith.constant 0 : i32
      %cond3A_110 = arith.cmpi ne, %convert_element_type3A, %cond3A : i32
      scf.if %cond3A_110 {
        %sub3A = arith.constant 2 : i32
        %sub3A_148 = arith.subi %scan3A_103, %sub3A : i32
        %mul3A_149 = arith.constant 128 : i32
        %mul3A_150 = arith.muli %sub3A_148, %mul3A_149 : i32
        %add3A_151 = arith.addi %mul3A_2, %mul3A_150 : i32
        %dma_wait3A_152 = arith.constant 0 : i32
        %dma_wait3A_153 = arith.constant 0 : i32
        %dma_wait3A_154 = tpu.memref_slice %arg8[%rem3A_108, %dma_wait3A_152, %dma_wait3A_153] : memref<3x128x128xf32, #tpu.memory_space<vmem>> -> memref<1x128x128xf32, #tpu.memory_space<vmem>>
        %dma_wait3A_155 = tpu.memref_squeeze %dma_wait3A_154 : memref<1x128x128xf32, #tpu.memory_space<vmem>> -> memref<128x128xf32, #tpu.memory_space<vmem>>
        %dma_wait3A_156 = arith.constant 0 : i32
        %dma_wait3A_157 = tpu.memref_slice %arg6[%add3A_151, %dma_wait3A_156] : memref<819200x128xf32, #tpu.memory_space<hbm>> -> memref<128x128xf32, #tpu.memory_space<hbm>>
        %dma_wait3A_158 = tpu.memref_slice %arg12[%rem3A_108] : memref<3x!tpu.dma_semaphore, #tpu.memory_space<semaphore_mem>> -> memref<1x!tpu.dma_semaphore, #tpu.memory_space<semaphore_mem>>
        %dma_wait3A_159 = tpu.memref_squeeze %dma_wait3A_158 : memref<1x!tpu.dma_semaphore, #tpu.memory_space<semaphore_mem>> -> memref<!tpu.dma_semaphore, #tpu.memory_space<semaphore_mem>>
        %dma_wait3A_160 = arith.constant 0 : i32
        %dma_wait3A_161 = tpu.memref_slice %arg6[%add3A_151, %dma_wait3A_160] : memref<819200x128xf32, #tpu.memory_space<hbm>> -> memref<128x128xf32, #tpu.memory_space<hbm>>
        %dma_wait3A_162 = arith.constant 0 : i32
        %dma_wait3A_163 = arith.constant 0 : i32
        %dma_wait3A_164 = tpu.memref_slice %arg8[%rem3A_108, %dma_wait3A_162, %dma_wait3A_163] : memref<3x128x128xf32, #tpu.memory_space<vmem>> -> memref<1x128x128xf32, #tpu.memory_space<vmem>>
        %dma_wait3A_165 = tpu.memref_squeeze %dma_wait3A_164 : memref<1x128x128xf32, #tpu.memory_space<vmem>> -> memref<128x128xf32, #tpu.memory_space<vmem>>
        tpu.wait_dma2 semaphore(%dma_wait3A_159 : memref<!tpu.dma_semaphore, #tpu.memory_space<semaphore_mem>>) src(%dma_wait3A_165 : memref<128x128xf32, #tpu.memory_space<vmem>>) dst(%dma_wait3A_161 : memref<128x128xf32, #tpu.memory_space<hbm>>)
      } else {
      }
      %add3A_111 = arith.constant 1 : i32
      %add3A_112 = arith.addi %scan3A_103, %add3A_111 : i32
      %lt3A = arith.constant 200 : i32
      %lt3A_113 = arith.cmpi slt, %add3A_112, %lt3A : i32
      %convert_element_type3A_114 = arith.extui %lt3A_113 : i1 to i32
      %cond3A_115 = arith.constant 0 : i32
      %cond3A_116 = arith.cmpi ne, %convert_element_type3A_114, %cond3A_115 : i32
      scf.if %cond3A_116 {
        %add3A_148 = arith.constant 1 : i32
        %add3A_149 = arith.addi %scan3A_103, %add3A_148 : i32
        %dma_start3A_150 = arith.constant 0 : i32
        %dma_start3A_151 = arith.constant 0 : i32
        %dma_start3A_152 = tpu.memref_slice %arg8[%rem3A_108, %dma_start3A_150, %dma_start3A_151] : memref<3x128x128xf32, #tpu.memory_space<vmem>> -> memref<1x128x128xf32, #tpu.memory_space<vmem>>
        %dma_start3A_153 = tpu.memref_squeeze %dma_start3A_152 : memref<1x128x128xf32, #tpu.memory_space<vmem>> -> memref<128x128xf32, #tpu.memory_space<vmem>>
        %dma_start3A_154 = arith.constant 0 : i32
        %dma_start3A_155 = tpu.memref_slice %arg7[%add3A_149, %dma_start3A_154] : memref<200x128xi32, #tpu.memory_space<vmem>> -> memref<1x128xi32, #tpu.memory_space<vmem>>
        %dma_start3A_156 = tpu.memref_squeeze %dma_start3A_155 : memref<1x128xi32, #tpu.memory_space<vmem>> -> memref<128xi32, #tpu.memory_space<vmem>>
        %dma_start3A_157 = arith.constant 0 : i32
        %dma_start3A_158 = arith.constant 0 : i32
        %dma_start3A_159 = tpu.memref_slice %arg3[%dma_start3A_157, %dma_start3A_158] : memref<100000x128xf32, #tpu.memory_space<hbm>> -> memref<100000x128xf32, #tpu.memory_space<hbm>>
        %dma_start3A_160 = tpu.memref_slice %arg11[%rem3A_108] : memref<3x!tpu.dma_semaphore, #tpu.memory_space<semaphore_mem>> -> memref<1x!tpu.dma_semaphore, #tpu.memory_space<semaphore_mem>>
        %dma_start3A_161 = tpu.memref_squeeze %dma_start3A_160 : memref<1x!tpu.dma_semaphore, #tpu.memory_space<semaphore_mem>> -> memref<!tpu.dma_semaphore, #tpu.memory_space<semaphore_mem>>
        tpu.enqueue_indirect_dma source(%dma_start3A_159 : memref<100000x128xf32, #tpu.memory_space<hbm>>) target(%dma_start3A_153 : memref<128x128xf32, #tpu.memory_space<vmem>>) offsets(%dma_start3A_156 : memref<128xi32, #tpu.memory_space<vmem>>) semaphore(%dma_start3A_161 : memref<!tpu.dma_semaphore, #tpu.memory_space<semaphore_mem>>)
      } else {
      }
      %dma_wait3A_117 = arith.constant 0 : i32
      %dma_wait3A_118 = arith.constant 0 : i32
      %dma_wait3A_119 = tpu.memref_slice %arg8[%rem3A_104, %dma_wait3A_117, %dma_wait3A_118] : memref<3x128x128xf32, #tpu.memory_space<vmem>> -> memref<1x128x128xf32, #tpu.memory_space<vmem>>
      %dma_wait3A_120 = tpu.memref_squeeze %dma_wait3A_119 : memref<1x128x128xf32, #tpu.memory_space<vmem>> -> memref<128x128xf32, #tpu.memory_space<vmem>>
      %dma_wait3A_121 = arith.constant 0 : i32
      %dma_wait3A_122 = tpu.memref_slice %arg7[%scan3A_103, %dma_wait3A_121] : memref<200x128xi32, #tpu.memory_space<vmem>> -> memref<1x128xi32, #tpu.memory_space<vmem>>
      %dma_wait3A_123 = tpu.memref_squeeze %dma_wait3A_122 : memref<1x128xi32, #tpu.memory_space<vmem>> -> memref<128xi32, #tpu.memory_space<vmem>>
      %dma_wait3A_124 = arith.constant 0 : i32
      %dma_wait3A_125 = arith.constant 0 : i32
      %dma_wait3A_126 = tpu.memref_slice %arg3[%dma_wait3A_124, %dma_wait3A_125] : memref<100000x128xf32, #tpu.memory_space<hbm>> -> memref<100000x128xf32, #tpu.memory_space<hbm>>
      %dma_wait3A_127 = tpu.memref_slice %arg11[%rem3A_104] : memref<3x!tpu.dma_semaphore, #tpu.memory_space<semaphore_mem>> -> memref<1x!tpu.dma_semaphore, #tpu.memory_space<semaphore_mem>>
      %dma_wait3A_128 = tpu.memref_squeeze %dma_wait3A_127 : memref<1x!tpu.dma_semaphore, #tpu.memory_space<semaphore_mem>> -> memref<!tpu.dma_semaphore, #tpu.memory_space<semaphore_mem>>
      tpu.wait_indirect_dma semaphore(%dma_wait3A_128 : memref<!tpu.dma_semaphore, #tpu.memory_space<semaphore_mem>>) src(%dma_wait3A_126 : memref<100000x128xf32, #tpu.memory_space<hbm>>) dst(%dma_wait3A_120 : memref<128x128xf32, #tpu.memory_space<vmem>>)
      %parallel_loop3A = arith.constant 0 : i32
      %parallel_loop3A_129 = arith.constant 128 : i32
      %parallel_loop3A_130 = arith.constant 1 : i32
      scf.for %parallel_loop3A_148 = %parallel_loop3A to %parallel_loop3A_129 step %parallel_loop3A_130  : i32 {
        %parallel_loop3A_149 = arith.constant 0 : i32
        %parallel_loop3A_150 = arith.constant 0 : i32
        %parallel_loop3A_151 = tpu.memref_slice %arg8[%rem3A_104, %parallel_loop3A_149, %parallel_loop3A_150] : memref<3x128x128xf32, #tpu.memory_space<vmem>> -> memref<1x128x128xf32, #tpu.memory_space<vmem>>
        %parallel_loop3A_152 = tpu.memref_squeeze %parallel_loop3A_151 : memref<1x128x128xf32, #tpu.memory_space<vmem>> -> memref<128x128xf32, #tpu.memory_space<vmem>>
        %parallel_loop3A_153 = arith.index_cast %parallel_loop3A_148 : i32 to index
        %parallel_loop3A_154 = arith.constant 0 : index
        %parallel_loop3A_155 = tpu.vector_load %parallel_loop3A_152[%parallel_loop3A_153, %parallel_loop3A_154] {strides = array<i32>} : memref<128x128xf32, #tpu.memory_space<vmem>>, vector<1x16xf32>,
        %parallel_loop3A_156 = vector.shape_cast %parallel_loop3A_155 : vector<1x16xf32> to vector<16xf32>
        %parallel_loop3A_157 = arith.constant 0 : i32
        %parallel_loop3A_158 = arith.constant 0 : i32
        %parallel_loop3A_159 = tpu.memref_slice %arg8[%rem3A_104, %parallel_loop3A_157, %parallel_loop3A_158] : memref<3x128x128xf32, #tpu.memory_space<vmem>> -> memref<1x128x128xf32, #tpu.memory_space<vmem>>
        %parallel_loop3A_160 = tpu.memref_squeeze %parallel_loop3A_159 : memref<1x128x128xf32, #tpu.memory_space<vmem>> -> memref<128x128xf32, #tpu.memory_space<vmem>>
        %parallel_loop3A_161 = arith.index_cast %parallel_loop3A_148 : i32 to index
        %parallel_loop3A_162 = arith.constant 16 : index
        %parallel_loop3A_163 = tpu.vector_load %parallel_loop3A_160[%parallel_loop3A_161, %parallel_loop3A_162] {strides = array<i32>} : memref<128x128xf32, #tpu.memory_space<vmem>>, vector<1x16xf32>,
        %parallel_loop3A_164 = vector.shape_cast %parallel_loop3A_163 : vector<1x16xf32> to vector<16xf32>
        %parallel_loop3A_165 = arith.constant 0 : i32
        %parallel_loop3A_166 = arith.constant 0 : i32
        %parallel_loop3A_167 = tpu.memref_slice %arg8[%rem3A_104, %parallel_loop3A_165, %parallel_loop3A_166] : memref<3x128x128xf32, #tpu.memory_space<vmem>> -> memref<1x128x128xf32, #tpu.memory_space<vmem>>
        %parallel_loop3A_168 = tpu.memref_squeeze %parallel_loop3A_167 : memref<1x128x128xf32, #tpu.memory_space<vmem>> -> memref<128x128xf32, #tpu.memory_space<vmem>>
        %parallel_loop3A_169 = arith.index_cast %parallel_loop3A_148 : i32 to index
        %parallel_loop3A_170 = arith.constant 32 : index
        %parallel_loop3A_171 = tpu.vector_load %parallel_loop3A_168[%parallel_loop3A_169, %parallel_loop3A_170] {strides = array<i32>} : memref<128x128xf32, #tpu.memory_space<vmem>>, vector<1x16xf32>,
        %parallel_loop3A_172 = vector.shape_cast %parallel_loop3A_171 : vector<1x16xf32> to vector<16xf32>
        %parallel_loop3A_173 = arith.constant 0 : i32
        %parallel_loop3A_174 = arith.constant 0 : i32
        %parallel_loop3A_175 = tpu.memref_slice %arg8[%rem3A_104, %parallel_loop3A_173, %parallel_loop3A_174] : memref<3x128x128xf32, #tpu.memory_space<vmem>> -> memref<1x128x128xf32, #tpu.memory_space<vmem>>
        %parallel_loop3A_176 = tpu.memref_squeeze %parallel_loop3A_175 : memref<1x128x128xf32, #tpu.memory_space<vmem>> -> memref<128x128xf32, #tpu.memory_space<vmem>>
        %parallel_loop3A_177 = arith.index_cast %parallel_loop3A_148 : i32 to index
        %parallel_loop3A_178 = arith.constant 48 : index
        %parallel_loop3A_179 = tpu.vector_load %parallel_loop3A_176[%parallel_loop3A_177, %parallel_loop3A_178] {strides = array<i32>} : memref<128x128xf32, #tpu.memory_space<vmem>>, vector<1x16xf32>,
        %parallel_loop3A_180 = vector.shape_cast %parallel_loop3A_179 : vector<1x16xf32> to vector<16xf32>
        %parallel_loop3A_181 = arith.constant 0 : i32
        %parallel_loop3A_182 = arith.constant 0 : i32
        %parallel_loop3A_183 = tpu.memref_slice %arg8[%rem3A_104, %parallel_loop3A_181, %parallel_loop3A_182] : memref<3x128x128xf32, #tpu.memory_space<vmem>> -> memref<1x128x128xf32, #tpu.memory_space<vmem>>
        %parallel_loop3A_184 = tpu.memref_squeeze %parallel_loop3A_183 : memref<1x128x128xf32, #tpu.memory_space<vmem>> -> memref<128x128xf32, #tpu.memory_space<vmem>>
        %parallel_loop3A_185 = arith.index_cast %parallel_loop3A_148 : i32 to index
        %parallel_loop3A_186 = arith.constant 64 : index
        %parallel_loop3A_187 = tpu.vector_load %parallel_loop3A_184[%parallel_loop3A_185, %parallel_loop3A_186] {strides = array<i32>} : memref<128x128xf32, #tpu.memory_space<vmem>>, vector<1x16xf32>,
        %parallel_loop3A_188 = vector.shape_cast %parallel_loop3A_187 : vector<1x16xf32> to vector<16xf32>
        %parallel_loop3A_189 = arith.constant 0 : i32
        %parallel_loop3A_190 = arith.constant 0 : i32
        %parallel_loop3A_191 = tpu.memref_slice %arg8[%rem3A_104, %parallel_loop3A_189, %parallel_loop3A_190] : memref<3x128x128xf32, #tpu.memory_space<vmem>> -> memref<1x128x128xf32, #tpu.memory_space<vmem>>
        %parallel_loop3A_192 = tpu.memref_squeeze %parallel_loop3A_191 : memref<1x128x128xf32, #tpu.memory_space<vmem>> -> memref<128x128xf32, #tpu.memory_space<vmem>>
        %parallel_loop3A_193 = arith.index_cast %parallel_loop3A_148 : i32 to index
        %parallel_loop3A_194 = arith.constant 80 : index
        %parallel_loop3A_195 = tpu.vector_load %parallel_loop3A_192[%parallel_loop3A_193, %parallel_loop3A_194] {strides = array<i32>} : memref<128x128xf32, #tpu.memory_space<vmem>>, vector<1x16xf32>,
        %parallel_loop3A_196 = vector.shape_cast %parallel_loop3A_195 : vector<1x16xf32> to vector<16xf32>
        %parallel_loop3A_197 = arith.constant 0 : i32
        %parallel_loop3A_198 = arith.constant 0 : i32
        %parallel_loop3A_199 = tpu.memref_slice %arg8[%rem3A_104, %parallel_loop3A_197, %parallel_loop3A_198] : memref<3x128x128xf32, #tpu.memory_space<vmem>> -> memref<1x128x128xf32, #tpu.memory_space<vmem>>
        %parallel_loop3A_200 = tpu.memref_squeeze %parallel_loop3A_199 : memref<1x128x128xf32, #tpu.memory_space<vmem>> -> memref<128x128xf32, #tpu.memory_space<vmem>>
        %parallel_loop3A_201 = arith.index_cast %parallel_loop3A_148 : i32 to index
        %parallel_loop3A_202 = arith.constant 96 : index
        %parallel_loop3A_203 = tpu.vector_load %parallel_loop3A_200[%parallel_loop3A_201, %parallel_loop3A_202] {strides = array<i32>} : memref<128x128xf32, #tpu.memory_space<vmem>>, vector<1x16xf32>,
        %parallel_loop3A_204 = vector.shape_cast %parallel_loop3A_203 : vector<1x16xf32> to vector<16xf32>
        %parallel_loop3A_205 = arith.constant 0 : i32
        %parallel_loop3A_206 = arith.constant 0 : i32
        %parallel_loop3A_207 = tpu.memref_slice %arg8[%rem3A_104, %parallel_loop3A_205, %parallel_loop3A_206] : memref<3x128x128xf32, #tpu.memory_space<vmem>> -> memref<1x128x128xf32, #tpu.memory_space<vmem>>
        %parallel_loop3A_208 = tpu.memref_squeeze %parallel_loop3A_207 : memref<1x128x128xf32, #tpu.memory_space<vmem>> -> memref<128x128xf32, #tpu.memory_space<vmem>>
        %parallel_loop3A_209 = arith.index_cast %parallel_loop3A_148 : i32 to index
        %parallel_loop3A_210 = arith.constant 112 : index
        %parallel_loop3A_211 = tpu.vector_load %parallel_loop3A_208[%parallel_loop3A_209, %parallel_loop3A_210] {strides = array<i32>} : memref<128x128xf32, #tpu.memory_space<vmem>>, vector<1x16xf32>,
        %parallel_loop3A_212 = vector.shape_cast %parallel_loop3A_211 : vector<1x16xf32> to vector<16xf32>
        %parallel_loop3A_213 = arith.mulf %parallel_loop3A_156, %parallel_loop3A_156 : vector<16xf32>
        %parallel_loop3A_214 = arith.addf %parallel_loop3A_156, %parallel_loop3A_164 : vector<16xf32>
        %parallel_loop3A_215 = arith.mulf %parallel_loop3A_164, %parallel_loop3A_164 : vector<16xf32>
        %parallel_loop3A_216 = arith.addf %parallel_loop3A_213, %parallel_loop3A_215 : vector<16xf32>
        %parallel_loop3A_217 = arith.addf %parallel_loop3A_214, %parallel_loop3A_172 : vector<16xf32>
        %parallel_loop3A_218 = arith.mulf %parallel_loop3A_172, %parallel_loop3A_172 : vector<16xf32>
        %parallel_loop3A_219 = arith.addf %parallel_loop3A_216, %parallel_loop3A_218 : vector<16xf32>
        %parallel_loop3A_220 = arith.addf %parallel_loop3A_217, %parallel_loop3A_180 : vector<16xf32>
        %parallel_loop3A_221 = arith.mulf %parallel_loop3A_180, %parallel_loop3A_180 : vector<16xf32>
        %parallel_loop3A_222 = arith.addf %parallel_loop3A_219, %parallel_loop3A_221 : vector<16xf32>
        %parallel_loop3A_223 = arith.addf %parallel_loop3A_220, %parallel_loop3A_188 : vector<16xf32>
        %parallel_loop3A_224 = arith.mulf %parallel_loop3A_188, %parallel_loop3A_188 : vector<16xf32>
        %parallel_loop3A_225 = arith.addf %parallel_loop3A_222, %parallel_loop3A_224 : vector<16xf32>
        %parallel_loop3A_226 = arith.addf %parallel_loop3A_223, %parallel_loop3A_196 : vector<16xf32>
        %parallel_loop3A_227 = arith.mulf %parallel_loop3A_196, %parallel_loop3A_196 : vector<16xf32>
        %parallel_loop3A_228 = arith.addf %parallel_loop3A_225, %parallel_loop3A_227 : vector<16xf32>
        %parallel_loop3A_229 = arith.addf %parallel_loop3A_226, %parallel_loop3A_204 : vector<16xf32>
        %parallel_loop3A_230 = arith.mulf %parallel_loop3A_204, %parallel_loop3A_204 : vector<16xf32>
        %parallel_loop3A_231 = arith.addf %parallel_loop3A_228, %parallel_loop3A_230 : vector<16xf32>
        %parallel_loop3A_232 = arith.addf %parallel_loop3A_229, %parallel_loop3A_212 : vector<16xf32>
        %parallel_loop3A_233 = arith.mulf %parallel_loop3A_212, %parallel_loop3A_212 : vector<16xf32>
        %parallel_loop3A_234 = arith.addf %parallel_loop3A_231, %parallel_loop3A_233 : vector<16xf32>
        %parallel_loop3A_235 = tpu.iota {dimensions = array<i32: 0>} : vector<16xi32>
        %parallel_loop3A_236 = arith.constant 1 : i32
        %parallel_loop3A_237 = vector.broadcast %parallel_loop3A_236 : i32 to vector<16xi32>
        %parallel_loop3A_238 = arith.xori %parallel_loop3A_235, %parallel_loop3A_237 : vector<16xi32>
        %parallel_loop3A_239 = vector.shape_cast %parallel_loop3A_238 : vector<16xi32> to vector<16x1xi32>
        %parallel_loop3A_240 = vector.shape_cast %parallel_loop3A_239 : vector<16x1xi32> to vector<16xi32>
        %parallel_loop3A_241 = tpu.dynamic_gather %parallel_loop3A_232[%parallel_loop3A_240] in [0] : vector<16xf32>, vector<16xi32> -> vector<16xf32>
        %parallel_loop3A_242 = arith.addf %parallel_loop3A_232, %parallel_loop3A_241 : vector<16xf32>
        %parallel_loop3A_243 = arith.constant 2 : i32
        %parallel_loop3A_244 = vector.broadcast %parallel_loop3A_243 : i32 to vector<16xi32>
        %parallel_loop3A_245 = arith.xori %parallel_loop3A_235, %parallel_loop3A_244 : vector<16xi32>
        %parallel_loop3A_246 = vector.shape_cast %parallel_loop3A_245 : vector<16xi32> to vector<16x1xi32>
        %parallel_loop3A_247 = vector.shape_cast %parallel_loop3A_246 : vector<16x1xi32> to vector<16xi32>
        %parallel_loop3A_248 = tpu.dynamic_gather %parallel_loop3A_242[%parallel_loop3A_247] in [0] : vector<16xf32>, vector<16xi32> -> vector<16xf32>
        %parallel_loop3A_249 = arith.addf %parallel_loop3A_242, %parallel_loop3A_248 : vector<16xf32>
        %parallel_loop3A_250 = arith.constant 4 : i32
        %parallel_loop3A_251 = vector.broadcast %parallel_loop3A_250 : i32 to vector<16xi32>
        %parallel_loop3A_252 = arith.xori %parallel_loop3A_235, %parallel_loop3A_251 : vector<16xi32>
        %parallel_loop3A_253 = vector.shape_cast %parallel_loop3A_252 : vector<16xi32> to vector<16x1xi32>
        %parallel_loop3A_254 = vector.shape_cast %parallel_loop3A_253 : vector<16x1xi32> to vector<16xi32>
        %parallel_loop3A_255 = tpu.dynamic_gather %parallel_loop3A_249[%parallel_loop3A_254] in [0] : vector<16xf32>, vector<16xi32> -> vector<16xf32>
        %parallel_loop3A_256 = arith.addf %parallel_loop3A_249, %parallel_loop3A_255 : vector<16xf32>
        %parallel_loop3A_257 = arith.constant 8 : i32
        %parallel_loop3A_258 = vector.broadcast %parallel_loop3A_257 : i32 to vector<16xi32>
        %parallel_loop3A_259 = arith.xori %parallel_loop3A_235, %parallel_loop3A_258 : vector<16xi32>
        %parallel_loop3A_260 = vector.shape_cast %parallel_loop3A_259 : vector<16xi32> to vector<16x1xi32>
        %parallel_loop3A_261 = vector.shape_cast %parallel_loop3A_260 : vector<16x1xi32> to vector<16xi32>
        %parallel_loop3A_262 = tpu.dynamic_gather %parallel_loop3A_256[%parallel_loop3A_261] in [0] : vector<16xf32>, vector<16xi32> -> vector<16xf32>
        %parallel_loop3A_263 = arith.addf %parallel_loop3A_256, %parallel_loop3A_262 : vector<16xf32>
        %parallel_loop3A_264 = arith.constant 7.812500e-03 : f32
        %parallel_loop3A_265 = vector.broadcast %parallel_loop3A_264 : f32 to vector<16xf32>
        %parallel_loop3A_266 = arith.mulf %parallel_loop3A_263, %parallel_loop3A_265 : vector<16xf32>
        %parallel_loop3A_267 = tpu.iota {dimensions = array<i32: 0>} : vector<16xi32>
        %parallel_loop3A_268 = arith.constant 1 : i32
        %parallel_loop3A_269 = vector.broadcast %parallel_loop3A_268 : i32 to vector<16xi32>
        %parallel_loop3A_270 = arith.xori %parallel_loop3A_267, %parallel_loop3A_269 : vector<16xi32>
        %parallel_loop3A_271 = vector.shape_cast %parallel_loop3A_270 : vector<16xi32> to vector<16x1xi32>
        %parallel_loop3A_272 = vector.shape_cast %parallel_loop3A_271 : vector<16x1xi32> to vector<16xi32>
        %parallel_loop3A_273 = tpu.dynamic_gather %parallel_loop3A_234[%parallel_loop3A_272] in [0] : vector<16xf32>, vector<16xi32> -> vector<16xf32>
        %parallel_loop3A_274 = arith.addf %parallel_loop3A_234, %parallel_loop3A_273 : vector<16xf32>
        %parallel_loop3A_275 = arith.constant 2 : i32
        %parallel_loop3A_276 = vector.broadcast %parallel_loop3A_275 : i32 to vector<16xi32>
        %parallel_loop3A_277 = arith.xori %parallel_loop3A_267, %parallel_loop3A_276 : vector<16xi32>
        %parallel_loop3A_278 = vector.shape_cast %parallel_loop3A_277 : vector<16xi32> to vector<16x1xi32>
        %parallel_loop3A_279 = vector.shape_cast %parallel_loop3A_278 : vector<16x1xi32> to vector<16xi32>
        %parallel_loop3A_280 = tpu.dynamic_gather %parallel_loop3A_274[%parallel_loop3A_279] in [0] : vector<16xf32>, vector<16xi32> -> vector<16xf32>
        %parallel_loop3A_281 = arith.addf %parallel_loop3A_274, %parallel_loop3A_280 : vector<16xf32>
        %parallel_loop3A_282 = arith.constant 4 : i32
        %parallel_loop3A_283 = vector.broadcast %parallel_loop3A_282 : i32 to vector<16xi32>
        %parallel_loop3A_284 = arith.xori %parallel_loop3A_267, %parallel_loop3A_283 : vector<16xi32>
        %parallel_loop3A_285 = vector.shape_cast %parallel_loop3A_284 : vector<16xi32> to vector<16x1xi32>
        %parallel_loop3A_286 = vector.shape_cast %parallel_loop3A_285 : vector<16x1xi32> to vector<16xi32>
        %parallel_loop3A_287 = tpu.dynamic_gather %parallel_loop3A_281[%parallel_loop3A_286] in [0] : vector<16xf32>, vector<16xi32> -> vector<16xf32>
        %parallel_loop3A_288 = arith.addf %parallel_loop3A_281, %parallel_loop3A_287 : vector<16xf32>
        %parallel_loop3A_289 = arith.constant 8 : i32
        %parallel_loop3A_290 = vector.broadcast %parallel_loop3A_289 : i32 to vector<16xi32>
        %parallel_loop3A_291 = arith.xori %parallel_loop3A_267, %parallel_loop3A_290 : vector<16xi32>
        %parallel_loop3A_292 = vector.shape_cast %parallel_loop3A_291 : vector<16xi32> to vector<16x1xi32>
        %parallel_loop3A_293 = vector.shape_cast %parallel_loop3A_292 : vector<16x1xi32> to vector<16xi32>
        %parallel_loop3A_294 = tpu.dynamic_gather %parallel_loop3A_288[%parallel_loop3A_293] in [0] : vector<16xf32>, vector<16xi32> -> vector<16xf32>
        %parallel_loop3A_295 = arith.addf %parallel_loop3A_288, %parallel_loop3A_294 : vector<16xf32>
        %parallel_loop3A_296 = arith.constant 7.812500e-03 : f32
        %parallel_loop3A_297 = vector.broadcast %parallel_loop3A_296 : f32 to vector<16xf32>
        %parallel_loop3A_298 = arith.mulf %parallel_loop3A_295, %parallel_loop3A_297 : vector<16xf32>
        %parallel_loop3A_299 = arith.mulf %parallel_loop3A_266, %parallel_loop3A_266 : vector<16xf32>
        %parallel_loop3A_300 = arith.subf %parallel_loop3A_298, %parallel_loop3A_299 : vector<16xf32>
        %parallel_loop3A_301 = arith.constant 0.000000e+00 : f32
        %parallel_loop3A_302 = vector.broadcast %parallel_loop3A_301 : f32 to vector<16xf32>
        %parallel_loop3A_303 = arith.maximumf %parallel_loop3A_300, %parallel_loop3A_302 : vector<16xf32>
        %parallel_loop3A_304 = arith.constant 9.99999996E-13 : f32
        %parallel_loop3A_305 = vector.broadcast %parallel_loop3A_304 : f32 to vector<16xf32>
        %parallel_loop3A_306 = arith.addf %parallel_loop3A_303, %parallel_loop3A_305 : vector<16xf32>
        %parallel_loop3A_307 = tpu.bitcast %parallel_loop3A_306 : vector<16xf32> -> vector<16xi32>
        %parallel_loop3A_308 = arith.constant 1 : i32
        %parallel_loop3A_309 = vector.broadcast %parallel_loop3A_308 : i32 to vector<16xi32>
        %parallel_loop3A_310 = arith.shrsi %parallel_loop3A_307, %parallel_loop3A_309 : vector<16xi32>
        %parallel_loop3A_311 = arith.constant 1597463007 : i32
        %parallel_loop3A_312 = vector.broadcast %parallel_loop3A_311 : i32 to vector<16xi32>
        %parallel_loop3A_313 = arith.subi %parallel_loop3A_312, %parallel_loop3A_310 : vector<16xi32>
        %parallel_loop3A_314 = tpu.bitcast %parallel_loop3A_313 : vector<16xi32> -> vector<16xf32>
        %parallel_loop3A_315 = arith.constant 5.000000e-01 : f32
        %parallel_loop3A_316 = vector.broadcast %parallel_loop3A_315 : f32 to vector<16xf32>
        %parallel_loop3A_317 = arith.mulf %parallel_loop3A_316, %parallel_loop3A_306 : vector<16xf32>
        %parallel_loop3A_318 = arith.mulf %parallel_loop3A_317, %parallel_loop3A_314 : vector<16xf32>
        %parallel_loop3A_319 = arith.mulf %parallel_loop3A_318, %parallel_loop3A_314 : vector<16xf32>
        %parallel_loop3A_320 = arith.constant 1.500000e+00 : f32
        %parallel_loop3A_321 = vector.broadcast %parallel_loop3A_320 : f32 to vector<16xf32>
        %parallel_loop3A_322 = arith.subf %parallel_loop3A_321, %parallel_loop3A_319 : vector<16xf32>
        %parallel_loop3A_323 = arith.mulf %parallel_loop3A_314, %parallel_loop3A_322 : vector<16xf32>
        %parallel_loop3A_324 = arith.constant 5.000000e-01 : f32
        %parallel_loop3A_325 = vector.broadcast %parallel_loop3A_324 : f32 to vector<16xf32>
        %parallel_loop3A_326 = arith.mulf %parallel_loop3A_325, %parallel_loop3A_306 : vector<16xf32>
        %parallel_loop3A_327 = arith.mulf %parallel_loop3A_326, %parallel_loop3A_323 : vector<16xf32>
        %parallel_loop3A_328 = arith.mulf %parallel_loop3A_327, %parallel_loop3A_323 : vector<16xf32>
        %parallel_loop3A_329 = arith.constant 1.500000e+00 : f32
        %parallel_loop3A_330 = vector.broadcast %parallel_loop3A_329 : f32 to vector<16xf32>
        %parallel_loop3A_331 = arith.subf %parallel_loop3A_330, %parallel_loop3A_328 : vector<16xf32>
        %parallel_loop3A_332 = arith.mulf %parallel_loop3A_323, %parallel_loop3A_331 : vector<16xf32>
        %parallel_loop3A_333 = arith.subf %parallel_loop3A_156, %parallel_loop3A_266 : vector<16xf32>
        %parallel_loop3A_334 = arith.mulf %parallel_loop3A_332, %get3A_18 : vector<16xf32>
        %parallel_loop3A_335 = arith.mulf %parallel_loop3A_333, %parallel_loop3A_334 : vector<16xf32>
        %parallel_loop3A_336 = arith.addf %parallel_loop3A_335, %get3A_42 : vector<16xf32>
        %parallel_loop3A_337 = arith.constant 0 : i32
        %parallel_loop3A_338 = arith.constant 0 : i32
        %parallel_loop3A_339 = tpu.memref_slice %arg8[%rem3A_104, %parallel_loop3A_337, %parallel_loop3A_338] : memref<3x128x128xf32, #tpu.memory_space<vmem>> -> memref<1x128x128xf32, #tpu.memory_space<vmem>>
        %parallel_loop3A_340 = tpu.memref_squeeze %parallel_loop3A_339 : memref<1x128x128xf32, #tpu.memory_space<vmem>> -> memref<128x128xf32, #tpu.memory_space<vmem>>
        %parallel_loop3A_341 = arith.index_cast %parallel_loop3A_148 : i32 to index
        %parallel_loop3A_342 = arith.constant 0 : index
        %parallel_loop3A_343 = tpu.vector_load %parallel_loop3A_340[%parallel_loop3A_341, %parallel_loop3A_342] {strides = array<i32>} : memref<128x128xf32, #tpu.memory_space<vmem>>, vector<1x16xf32>,
        %parallel_loop3A_344 = vector.shape_cast %parallel_loop3A_343 : vector<1x16xf32> to vector<16xf32>
        %parallel_loop3A_345 = vector.shape_cast %parallel_loop3A_336 : vector<16xf32> to vector<1x16xf32>
        tpu.vector_store %parallel_loop3A_340[%parallel_loop3A_341, %parallel_loop3A_342], %parallel_loop3A_345 {strides = array<i32>} : memref<128x128xf32, #tpu.memory_space<vmem>>, vector<1x16xf32>,
        %parallel_loop3A_346 = arith.subf %parallel_loop3A_164, %parallel_loop3A_266 : vector<16xf32>
        %parallel_loop3A_347 = arith.mulf %parallel_loop3A_332, %get3A_21 : vector<16xf32>
        %parallel_loop3A_348 = arith.mulf %parallel_loop3A_346, %parallel_loop3A_347 : vector<16xf32>
        %parallel_loop3A_349 = arith.addf %parallel_loop3A_348, %get3A_45 : vector<16xf32>
        %parallel_loop3A_350 = arith.constant 0 : i32
        %parallel_loop3A_351 = arith.constant 0 : i32
        %parallel_loop3A_352 = tpu.memref_slice %arg8[%rem3A_104, %parallel_loop3A_350, %parallel_loop3A_351] : memref<3x128x128xf32, #tpu.memory_space<vmem>> -> memref<1x128x128xf32, #tpu.memory_space<vmem>>
        %parallel_loop3A_353 = tpu.memref_squeeze %parallel_loop3A_352 : memref<1x128x128xf32, #tpu.memory_space<vmem>> -> memref<128x128xf32, #tpu.memory_space<vmem>>
        %parallel_loop3A_354 = arith.index_cast %parallel_loop3A_148 : i32 to index
        %parallel_loop3A_355 = arith.constant 16 : index
        %parallel_loop3A_356 = tpu.vector_load %parallel_loop3A_353[%parallel_loop3A_354, %parallel_loop3A_355] {strides = array<i32>} : memref<128x128xf32, #tpu.memory_space<vmem>>, vector<1x16xf32>,
        %parallel_loop3A_357 = vector.shape_cast %parallel_loop3A_356 : vector<1x16xf32> to vector<16xf32>
        %parallel_loop3A_358 = vector.shape_cast %parallel_loop3A_349 : vector<16xf32> to vector<1x16xf32>
        tpu.vector_store %parallel_loop3A_353[%parallel_loop3A_354, %parallel_loop3A_355], %parallel_loop3A_358 {strides = array<i32>} : memref<128x128xf32, #tpu.memory_space<vmem>>, vector<1x16xf32>,
        %parallel_loop3A_359 = arith.subf %parallel_loop3A_172, %parallel_loop3A_266 : vector<16xf32>
        %parallel_loop3A_360 = arith.mulf %parallel_loop3A_332, %get3A_24 : vector<16xf32>
        %parallel_loop3A_361 = arith.mulf %parallel_loop3A_359, %parallel_loop3A_360 : vector<16xf32>
        %parallel_loop3A_362 = arith.addf %parallel_loop3A_361, %get3A_48 : vector<16xf32>
        %parallel_loop3A_363 = arith.constant 0 : i32
        %parallel_loop3A_364 = arith.constant 0 : i32
        %parallel_loop3A_365 = tpu.memref_slice %arg8[%rem3A_104, %parallel_loop3A_363, %parallel_loop3A_364] : memref<3x128x128xf32, #tpu.memory_space<vmem>> -> memref<1x128x128xf32, #tpu.memory_space<vmem>>
        %parallel_loop3A_366 = tpu.memref_squeeze %parallel_loop3A_365 : memref<1x128x128xf32, #tpu.memory_space<vmem>> -> memref<128x128xf32, #tpu.memory_space<vmem>>
        %parallel_loop3A_367 = arith.index_cast %parallel_loop3A_148 : i32 to index
        %parallel_loop3A_368 = arith.constant 32 : index
        %parallel_loop3A_369 = tpu.vector_load %parallel_loop3A_366[%parallel_loop3A_367, %parallel_loop3A_368] {strides = array<i32>} : memref<128x128xf32, #tpu.memory_space<vmem>>, vector<1x16xf32>,
        %parallel_loop3A_370 = vector.shape_cast %parallel_loop3A_369 : vector<1x16xf32> to vector<16xf32>
        %parallel_loop3A_371 = vector.shape_cast %parallel_loop3A_362 : vector<16xf32> to vector<1x16xf32>
        tpu.vector_store %parallel_loop3A_366[%parallel_loop3A_367, %parallel_loop3A_368], %parallel_loop3A_371 {strides = array<i32>} : memref<128x128xf32, #tpu.memory_space<vmem>>, vector<1x16xf32>,
        %parallel_loop3A_372 = arith.subf %parallel_loop3A_180, %parallel_loop3A_266 : vector<16xf32>
        %parallel_loop3A_373 = arith.mulf %parallel_loop3A_332, %get3A_27 : vector<16xf32>
        %parallel_loop3A_374 = arith.mulf %parallel_loop3A_372, %parallel_loop3A_373 : vector<16xf32>
        %parallel_loop3A_375 = arith.addf %parallel_loop3A_374, %get3A_51 : vector<16xf32>
        %parallel_loop3A_376 = arith.constant 0 : i32
        %parallel_loop3A_377 = arith.constant 0 : i32
        %parallel_loop3A_378 = tpu.memref_slice %arg8[%rem3A_104, %parallel_loop3A_376, %parallel_loop3A_377] : memref<3x128x128xf32, #tpu.memory_space<vmem>> -> memref<1x128x128xf32, #tpu.memory_space<vmem>>
        %parallel_loop3A_379 = tpu.memref_squeeze %parallel_loop3A_378 : memref<1x128x128xf32, #tpu.memory_space<vmem>> -> memref<128x128xf32, #tpu.memory_space<vmem>>
        %parallel_loop3A_380 = arith.index_cast %parallel_loop3A_148 : i32 to index
        %parallel_loop3A_381 = arith.constant 48 : index
        %parallel_loop3A_382 = tpu.vector_load %parallel_loop3A_379[%parallel_loop3A_380, %parallel_loop3A_381] {strides = array<i32>} : memref<128x128xf32, #tpu.memory_space<vmem>>, vector<1x16xf32>,
        %parallel_loop3A_383 = vector.shape_cast %parallel_loop3A_382 : vector<1x16xf32> to vector<16xf32>
        %parallel_loop3A_384 = vector.shape_cast %parallel_loop3A_375 : vector<16xf32> to vector<1x16xf32>
        tpu.vector_store %parallel_loop3A_379[%parallel_loop3A_380, %parallel_loop3A_381], %parallel_loop3A_384 {strides = array<i32>} : memref<128x128xf32, #tpu.memory_space<vmem>>, vector<1x16xf32>,
        %parallel_loop3A_385 = arith.subf %parallel_loop3A_188, %parallel_loop3A_266 : vector<16xf32>
        %parallel_loop3A_386 = arith.mulf %parallel_loop3A_332, %get3A_30 : vector<16xf32>
        %parallel_loop3A_387 = arith.mulf %parallel_loop3A_385, %parallel_loop3A_386 : vector<16xf32>
        %parallel_loop3A_388 = arith.addf %parallel_loop3A_387, %get3A_54 : vector<16xf32>
        %parallel_loop3A_389 = arith.constant 0 : i32
        %parallel_loop3A_390 = arith.constant 0 : i32
        %parallel_loop3A_391 = tpu.memref_slice %arg8[%rem3A_104, %parallel_loop3A_389, %parallel_loop3A_390] : memref<3x128x128xf32, #tpu.memory_space<vmem>> -> memref<1x128x128xf32, #tpu.memory_space<vmem>>
        %parallel_loop3A_392 = tpu.memref_squeeze %parallel_loop3A_391 : memref<1x128x128xf32, #tpu.memory_space<vmem>> -> memref<128x128xf32, #tpu.memory_space<vmem>>
        %parallel_loop3A_393 = arith.index_cast %parallel_loop3A_148 : i32 to index
        %parallel_loop3A_394 = arith.constant 64 : index
        %parallel_loop3A_395 = tpu.vector_load %parallel_loop3A_392[%parallel_loop3A_393, %parallel_loop3A_394] {strides = array<i32>} : memref<128x128xf32, #tpu.memory_space<vmem>>, vector<1x16xf32>,
        %parallel_loop3A_396 = vector.shape_cast %parallel_loop3A_395 : vector<1x16xf32> to vector<16xf32>
        %parallel_loop3A_397 = vector.shape_cast %parallel_loop3A_388 : vector<16xf32> to vector<1x16xf32>
        tpu.vector_store %parallel_loop3A_392[%parallel_loop3A_393, %parallel_loop3A_394], %parallel_loop3A_397 {strides = array<i32>} : memref<128x128xf32, #tpu.memory_space<vmem>>, vector<1x16xf32>,
        %parallel_loop3A_398 = arith.subf %parallel_loop3A_196, %parallel_loop3A_266 : vector<16xf32>
        %parallel_loop3A_399 = arith.mulf %parallel_loop3A_332, %get3A_33 : vector<16xf32>
        %parallel_loop3A_400 = arith.mulf %parallel_loop3A_398, %parallel_loop3A_399 : vector<16xf32>
        %parallel_loop3A_401 = arith.addf %parallel_loop3A_400, %get3A_57 : vector<16xf32>
        %parallel_loop3A_402 = arith.constant 0 : i32
        %parallel_loop3A_403 = arith.constant 0 : i32
        %parallel_loop3A_404 = tpu.memref_slice %arg8[%rem3A_104, %parallel_loop3A_402, %parallel_loop3A_403] : memref<3x128x128xf32, #tpu.memory_space<vmem>> -> memref<1x128x128xf32, #tpu.memory_space<vmem>>
        %parallel_loop3A_405 = tpu.memref_squeeze %parallel_loop3A_404 : memref<1x128x128xf32, #tpu.memory_space<vmem>> -> memref<128x128xf32, #tpu.memory_space<vmem>>
        %parallel_loop3A_406 = arith.index_cast %parallel_loop3A_148 : i32 to index
        %parallel_loop3A_407 = arith.constant 80 : index
        %parallel_loop3A_408 = tpu.vector_load %parallel_loop3A_405[%parallel_loop3A_406, %parallel_loop3A_407] {strides = array<i32>} : memref<128x128xf32, #tpu.memory_space<vmem>>, vector<1x16xf32>,
        %parallel_loop3A_409 = vector.shape_cast %parallel_loop3A_408 : vector<1x16xf32> to vector<16xf32>
        %parallel_loop3A_410 = vector.shape_cast %parallel_loop3A_401 : vector<16xf32> to vector<1x16xf32>
        tpu.vector_store %parallel_loop3A_405[%parallel_loop3A_406, %parallel_loop3A_407], %parallel_loop3A_410 {strides = array<i32>} : memref<128x128xf32, #tpu.memory_space<vmem>>, vector<1x16xf32>,
        %parallel_loop3A_411 = arith.subf %parallel_loop3A_204, %parallel_loop3A_266 : vector<16xf32>
        %parallel_loop3A_412 = arith.mulf %parallel_loop3A_332, %get3A_36 : vector<16xf32>
        %parallel_loop3A_413 = arith.mulf %parallel_loop3A_411, %parallel_loop3A_412 : vector<16xf32>
        %parallel_loop3A_414 = arith.addf %parallel_loop3A_413, %get3A_60 : vector<16xf32>
        %parallel_loop3A_415 = arith.constant 0 : i32
        %parallel_loop3A_416 = arith.constant 0 : i32
        %parallel_loop3A_417 = tpu.memref_slice %arg8[%rem3A_104, %parallel_loop3A_415, %parallel_loop3A_416] : memref<3x128x128xf32, #tpu.memory_space<vmem>> -> memref<1x128x128xf32, #tpu.memory_space<vmem>>
        %parallel_loop3A_418 = tpu.memref_squeeze %parallel_loop3A_417 : memref<1x128x128xf32, #tpu.memory_space<vmem>> -> memref<128x128xf32, #tpu.memory_space<vmem>>
        %parallel_loop3A_419 = arith.index_cast %parallel_loop3A_148 : i32 to index
        %parallel_loop3A_420 = arith.constant 96 : index
        %parallel_loop3A_421 = tpu.vector_load %parallel_loop3A_418[%parallel_loop3A_419, %parallel_loop3A_420] {strides = array<i32>} : memref<128x128xf32, #tpu.memory_space<vmem>>, vector<1x16xf32>,
        %parallel_loop3A_422 = vector.shape_cast %parallel_loop3A_421 : vector<1x16xf32> to vector<16xf32>
        %parallel_loop3A_423 = vector.shape_cast %parallel_loop3A_414 : vector<16xf32> to vector<1x16xf32>
        tpu.vector_store %parallel_loop3A_418[%parallel_loop3A_419, %parallel_loop3A_420], %parallel_loop3A_423 {strides = array<i32>} : memref<128x128xf32, #tpu.memory_space<vmem>>, vector<1x16xf32>,
        %parallel_loop3A_424 = arith.subf %parallel_loop3A_212, %parallel_loop3A_266 : vector<16xf32>
        %parallel_loop3A_425 = arith.mulf %parallel_loop3A_332, %get3A_39 : vector<16xf32>
        %parallel_loop3A_426 = arith.mulf %parallel_loop3A_424, %parallel_loop3A_425 : vector<16xf32>
        %parallel_loop3A_427 = arith.addf %parallel_loop3A_426, %get3A_63 : vector<16xf32>
        %parallel_loop3A_428 = arith.constant 0 : i32
        %parallel_loop3A_429 = arith.constant 0 : i32
        %parallel_loop3A_430 = tpu.memref_slice %arg8[%rem3A_104, %parallel_loop3A_428, %parallel_loop3A_429] : memref<3x128x128xf32, #tpu.memory_space<vmem>> -> memref<1x128x128xf32, #tpu.memory_space<vmem>>
        %parallel_loop3A_431 = tpu.memref_squeeze %parallel_loop3A_430 : memref<1x128x128xf32, #tpu.memory_space<vmem>> -> memref<128x128xf32, #tpu.memory_space<vmem>>
        %parallel_loop3A_432 = arith.index_cast %parallel_loop3A_148 : i32 to index
        %parallel_loop3A_433 = arith.constant 112 : index
        %parallel_loop3A_434 = tpu.vector_load %parallel_loop3A_431[%parallel_loop3A_432, %parallel_loop3A_433] {strides = array<i32>} : memref<128x128xf32, #tpu.memory_space<vmem>>, vector<1x16xf32>,
        %parallel_loop3A_435 = vector.shape_cast %parallel_loop3A_434 : vector<1x16xf32> to vector<16xf32>
        %parallel_loop3A_436 = vector.shape_cast %parallel_loop3A_427 : vector<16xf32> to vector<1x16xf32>
        tpu.vector_store %parallel_loop3A_431[%parallel_loop3A_432, %parallel_loop3A_433], %parallel_loop3A_436 {strides = array<i32>} : memref<128x128xf32, #tpu.memory_space<vmem>>, vector<1x16xf32>,
      } {sc.loop_unroll_factor = 2 : i64, sc.parallel_access}
      %mul3A_131 = arith.constant 128 : i32
      %mul3A_132 = arith.muli %scan3A_103, %mul3A_131 : i32
      %add3A_133 = arith.addi %mul3A_2, %mul3A_132 : i32
      %dma_start3A_134 = arith.constant 0 : i32
      %dma_start3A_135 = arith.constant 0 : i32
      %dma_start3A_136 = tpu.memref_slice %arg8[%rem3A_104, %dma_start3A_134, %dma_start3A_135] : memref<3x128x128xf32, #tpu.memory_space<vmem>> -> memref<1x128x128xf32, #tpu.memory_space<vmem>>
      %dma_start3A_137 = tpu.memref_squeeze %dma_start3A_136 : memref<1x128x128xf32, #tpu.memory_space<vmem>> -> memref<128x128xf32, #tpu.memory_space<vmem>>
      %dma_start3A_138 = arith.constant 0 : i32
      %dma_start3A_139 = tpu.memref_slice %arg6[%add3A_133, %dma_start3A_138] : memref<819200x128xf32, #tpu.memory_space<hbm>> -> memref<128x128xf32, #tpu.memory_space<hbm>>
      %dma_start3A_140 = tpu.memref_slice %arg12[%rem3A_104] : memref<3x!tpu.dma_semaphore, #tpu.memory_space<semaphore_mem>> -> memref<1x!tpu.dma_semaphore, #tpu.memory_space<semaphore_mem>>
      %dma_start3A_141 = tpu.memref_squeeze %dma_start3A_140 : memref<1x!tpu.dma_semaphore, #tpu.memory_space<semaphore_mem>> -> memref<!tpu.dma_semaphore, #tpu.memory_space<semaphore_mem>>
      %dma_start3A_142 = arith.constant 0 : i32
      %dma_start3A_143 = tpu.memref_slice %arg6[%add3A_133, %dma_start3A_142] : memref<819200x128xf32, #tpu.memory_space<hbm>> -> memref<128x128xf32, #tpu.memory_space<hbm>>
      %dma_start3A_144 = arith.constant 0 : i32
      %dma_start3A_145 = arith.constant 0 : i32
      %dma_start3A_146 = tpu.memref_slice %arg8[%rem3A_104, %dma_start3A_144, %dma_start3A_145] : memref<3x128x128xf32, #tpu.memory_space<vmem>> -> memref<1x128x128xf32, #tpu.memory_space<vmem>>
      %dma_start3A_147 = tpu.memref_squeeze %dma_start3A_146 : memref<1x128x128xf32, #tpu.memory_space<vmem>> -> memref<128x128xf32, #tpu.memory_space<vmem>>
      tpu.enqueue_dma source(%dma_start3A_147 : memref<128x128xf32, #tpu.memory_space<vmem>>) target(%dma_start3A_143 : memref<128x128xf32, #tpu.memory_space<hbm>>) target_semaphore(%dma_start3A_141 : memref<!tpu.dma_semaphore, #tpu.memory_space<semaphore_mem>>)
    }
    %scan3A_67 = arith.constant 200 : i32
    %add3A_68 = arith.constant 25344 : i32
    %add3A_69 = arith.addi %mul3A_2, %add3A_68 : i32
    %dma_wait3A = arith.constant 0 : i32
    %dma_wait3A_70 = arith.constant 0 : i32
    %dma_wait3A_71 = arith.constant 0 : i32
    %dma_wait3A_72 = arith.constant 0 : i32
    %dma_wait3A_73 = tpu.memref_slice %arg8[%dma_wait3A, %dma_wait3A_71, %dma_wait3A_72] : memref<3x128x128xf32, #tpu.memory_space<vmem>> -> memref<1x128x128xf32, #tpu.memory_space<vmem>>
    %dma_wait3A_74 = tpu.memref_squeeze %dma_wait3A_73 : memref<1x128x128xf32, #tpu.memory_space<vmem>> -> memref<128x128xf32, #tpu.memory_space<vmem>>
    %dma_wait3A_75 = arith.constant 0 : i32
    %dma_wait3A_76 = tpu.memref_slice %arg6[%add3A_69, %dma_wait3A_75] : memref<819200x128xf32, #tpu.memory_space<hbm>> -> memref<128x128xf32, #tpu.memory_space<hbm>>
    %dma_wait3A_77 = tpu.memref_slice %arg12[%dma_wait3A_70] : memref<3x!tpu.dma_semaphore, #tpu.memory_space<semaphore_mem>> -> memref<1x!tpu.dma_semaphore, #tpu.memory_space<semaphore_mem>>
    %dma_wait3A_78 = tpu.memref_squeeze %dma_wait3A_77 : memref<1x!tpu.dma_semaphore, #tpu.memory_space<semaphore_mem>> -> memref<!tpu.dma_semaphore, #tpu.memory_space<semaphore_mem>>
    %dma_wait3A_79 = arith.constant 0 : i32
    %dma_wait3A_80 = tpu.memref_slice %arg6[%add3A_69, %dma_wait3A_79] : memref<819200x128xf32, #tpu.memory_space<hbm>> -> memref<128x128xf32, #tpu.memory_space<hbm>>
    %dma_wait3A_81 = arith.constant 0 : i32
    %dma_wait3A_82 = arith.constant 0 : i32
    %dma_wait3A_83 = tpu.memref_slice %arg8[%dma_wait3A, %dma_wait3A_81, %dma_wait3A_82] : memref<3x128x128xf32, #tpu.memory_space<vmem>> -> memref<1x128x128xf32, #tpu.memory_space<vmem>>
    %dma_wait3A_84 = tpu.memref_squeeze %dma_wait3A_83 : memref<1x128x128xf32, #tpu.memory_space<vmem>> -> memref<128x128xf32, #tpu.memory_space<vmem>>
    tpu.wait_dma2 semaphore(%dma_wait3A_78 : memref<!tpu.dma_semaphore, #tpu.memory_space<semaphore_mem>>) src(%dma_wait3A_84 : memref<128x128xf32, #tpu.memory_space<vmem>>) dst(%dma_wait3A_80 : memref<128x128xf32, #tpu.memory_space<hbm>>)
    %add3A_85 = arith.constant 25472 : i32
    %add3A_86 = arith.addi %mul3A_2, %add3A_85 : i32
    %dma_wait3A_87 = arith.constant 1 : i32
    %dma_wait3A_88 = arith.constant 1 : i32
    %dma_wait3A_89 = arith.constant 0 : i32
    %dma_wait3A_90 = arith.constant 0 : i32
    %dma_wait3A_91 = tpu.memref_slice %arg8[%dma_wait3A_87, %dma_wait3A_89, %dma_wait3A_90] : memref<3x128x128xf32, #tpu.memory_space<vmem>> -> memref<1x128x128xf32, #tpu.memory_space<vmem>>
    %dma_wait3A_92 = tpu.memref_squeeze %dma_wait3A_91 : memref<1x128x128xf32, #tpu.memory_space<vmem>> -> memref<128x128xf32, #tpu.memory_space<vmem>>
    %dma_wait3A_93 = arith.constant 0 : i32
    %dma_wait3A_94 = tpu.memref_slice %arg6[%add3A_86, %dma_wait3A_93] : memref<819200x128xf32, #tpu.memory_space<hbm>> -> memref<128x128xf32, #tpu.memory_space<hbm>>
    %dma_wait3A_95 = tpu.memref_slice %arg12[%dma_wait3A_88] : memref<3x!tpu.dma_semaphore, #tpu.memory_space<semaphore_mem>> -> memref<1x!tpu.dma_semaphore, #tpu.memory_space<semaphore_mem>>
    %dma_wait3A_96 = tpu.memref_squeeze %dma_wait3A_95 : memref<1x!tpu.dma_semaphore, #tpu.memory_space<semaphore_mem>> -> memref<!tpu.dma_semaphore, #tpu.memory_space<semaphore_mem>>
    %dma_wait3A_97 = arith.constant 0 : i32
    %dma_wait3A_98 = tpu.memref_slice %arg6[%add3A_86, %dma_wait3A_97] : memref<819200x128xf32, #tpu.memory_space<hbm>> -> memref<128x128xf32, #tpu.memory_space<hbm>>
    %dma_wait3A_99 = arith.constant 0 : i32
    %dma_wait3A_100 = arith.constant 0 : i32
    %dma_wait3A_101 = tpu.memref_slice %arg8[%dma_wait3A_87, %dma_wait3A_99, %dma_wait3A_100] : memref<3x128x128xf32, #tpu.memory_space<vmem>> -> memref<1x128x128xf32, #tpu.memory_space<vmem>>
    %dma_wait3A_102 = tpu.memref_squeeze %dma_wait3A_101 : memref<1x128x128xf32, #tpu.memory_space<vmem>> -> memref<128x128xf32, #tpu.memory_space<vmem>>
    tpu.wait_dma2 semaphore(%dma_wait3A_96 : memref<!tpu.dma_semaphore, #tpu.memory_space<semaphore_mem>>) src(%dma_wait3A_102 : memref<128x128xf32, #tpu.memory_space<vmem>>) dst(%dma_wait3A_98 : memref<128x128xf32, #tpu.memory_space<hbm>>)
    return
  }
}

</mosaic_0001>

<sc_bundles>
// kernel: kernel.3.cloned.1.call-start
scs
__scs_entry_jumppad:
0x0: {  	(pc) =	sbr.rel $0x88, $3  }
0x1: {  	(tag) =	ssettag $0x0;
	lr =	simm.s32 $0x1  }
0x2: {  	[smem:$0x3F9D] =	sst lr;
	_ =	strace $0xD0000000  }
0x3: {  	_ = 	snop  }
0x4: {  	_ = 	snop  }
0x5: {  	_ = 	snop  }
0x6: {  	_ = 	snop  }
0x7: {  	_ = 	snop  }
__scs_overlays_trampoline_lowered:
0x8: {  	[smem:$0x3FAC] =	sst s0  }
0x9: {  	[smem:$0x3FAD] =	sst s1  }
0xa: {  	[smem:$0x3FAE] =	sst s2  }
0xb: {  	[smem:$0x3FAF] =	sst s3  }
0xc: {  	[smem:$0x3FB0] =	sst s4  }
0xd: {  	[smem:$0x3FB1] =	sst s5  }
0xe: {  	[smem:$0x3FB2] =	sst s6  }
0xf: {  	[smem:$0x3FB3] =	sst s7  }
0x10: {  	[smem:$0x3FB4] =	sst s8  }
0x11: {  	[smem:$0x3FB5] =	sst s9;
	s0 =	simm.s32 @!p0 $0x0  }
0x12: {  	s1 =	sld [smem:$0x3F9B];
	s0 =	simm.s32 @p0 $0x1  }
0x13: {  	[smem:$0x3FB6] =	sst s0;
	s0 =	simm.s32 @!p1 $0x0  }
0x14: {  	s2 =	sld [smem:$0x3F9A];
	s0 =	simm.s32 @p1 $0x1  }
0x15: {  	[smem:$0x3FB7] =	sst s0;
	s0 =	simm.s32 @!p2 $0x0  }
0x16: {  	s3 =	sld [smem:$0x3FDB];
	s0 =	simm.s32 @p2 $0x1  }
0x17: {  	s4 =	simm.s32 $0x1BF5;
	[smem:$0x3FB9] =	sst s0  }
0x18: {  	s0 =	sld [smem:$0x3F9C];
	_ =	swait.ge [sflag:s4], $0x0  }
0x19: {  	s7 =	sld [smem:$0x3F9D]  }
0x1a: {  	s8 =	sadd.s32 $0xFFFFE003, lr  }
0x1b: {  	s9 =	sadd.s32 $0xFFFFFEF7, lr;
	s5 =	simm.s32 $0xFFFFFFFF;
	p2 =	slt.u32 s8, $0xFFFFF086  }
0x1c: {  	p1 =	slt.u32 s9, $0xF7A;
	s5 =	simm.s32 @!p2 $0x0  }
0x1d: {  	s5 =	simm.s32 @p1 $0x1;
	p0 =	seq.s32 s7, s2  }
0x1e: {  	s7 =	smul.u32 @!p0 $0xF7A, s2;
	p2 =	seq.s32 @!p0 s5, $0x0  }
0x1f: {  	s9 =	smul.u32 $0xF7A, s1;
	s8 =	simm.s32 @!p0 $0x1BF5;
	p2 =	por !p2, p0  }
0x20: {  	[sflag:s8] =	ssyncset.s32 @!p0 $0xFFFFF086;
	s6 =	sadd.s32 @!p0 s3, s7;
	s7 =	simm.s32 @!p0 $0x108  }
0x21: {  	s3 =	sadd.s32 s3, s9;
	s6 =	sadd.s32 @!p0 $0x88, s6;
	s7 =	simm.s32 @p2 $0x1082  }
0x22: {  	[simem:s7], [sflag:s8] =	dma.local @!p0 [hbm:s6], $0xF7A  }
0x23: {  	s9 =	sor.u32 $0xD0000000, s2;
	s6 =	simm.s32 $0x108;
	_ =	swait.ge @!p0 [sflag:s8], $0x0  }
0x24: {  	s3 =	sadd.s32 $0x88, s3;
	s6 =	simm.s32 @!p1 $0x1082;
	[sflag:s4] =	ssyncset.s32 $0xFFFFF086  }
0x25: {  	[simem:s6], [sflag:s4] =	dma.local [hbm:s3], $0xF7A  }
0x26: {  	[smem:$0x3F9D] =	sst s1;
	(tag) =	ssettag s2;
	_ =	strace s9  }
0x27: {  	s1 =	sld [smem:$0x3FAD]  }
0x28: {  	s2 =	sld [smem:$0x3FAE]  }
0x29: {  	s4 =	sld [smem:$0x3FB0]  }
0x2a: {  	p0 =	seq.s32 s5, $0x0;
	s5 =	sld [smem:$0x3FB1]  }
0x2b: {  	s6 =	sld [smem:$0x3FB2]  }
0x2c: {  	s7 =	sld [smem:$0x3FB3]  }
0x2d: {  	s3 =	simm.s32 $0x108;
	s8 =	sld [smem:$0x3FB4]  }
0x2e: {  	s3 =	simm.s32 @!p0 $0x1082;
	s9 =	sld [smem:$0x3FB5]  }
0x2f: {  	lr =	sadd.s32 s0, s3;
	s0 =	sld [smem:$0x3FAC]  }
0x30: {  	s3 =	sld [smem:$0x3FAF]  }
0x31: {  	[smem:$0x3FB8] =	sst s10  }
0x32: {  	s10 =	sld [smem:$0x3FB6];
	_ =	sdelay $0x3  }
0x33: {  	p0 =	seq.s32 s10, $0x1;
	s10 =	sld [smem:$0x3FB8];
	_ =	sdelay $0x3  }
0x34: {  	[smem:$0x3FB8] =	sst s10  }
0x35: {  	s10 =	sld [smem:$0x3FB7];
	_ =	sdelay $0x3  }
0x36: {  	p1 =	seq.s32 s10, $0x1;
	s10 =	sld [smem:$0x3FB8];
	_ =	sdelay $0x3  }
0x37: {  	[smem:$0x3FB8] =	sst s10  }
0x38: {  	s10 =	sld [smem:$0x3FB9]  }
0x39: {  	_ = 	snop;
	(pc) =	sbr.ind lr, $3  }
0x3a: {  	_ = 	snop  }
0x3b: {  	_ = 	snop  }
0x3c: {  	p2 =	seq.s32 s10, $0x1;
	s10 =	sld [smem:$0x3FB8]  }
0x3d: {  	_ =	shalt  }
0x3e: {  	_ =	shalt  }
0x3f: {  	_ =	shalt  }
0x40: {  	_ =	shalt  }
0x41: {  	_ =	shalt  }
0x42: {  	_ =	shalt  }
0x43: {  	_ =	shalt  }
0x44: {  	_ =	shalt  }
0x45: {  	_ =	shalt  }
0x46: {  	_ =	shalt  }
0x47: {  	_ =	shalt  }
0x48: {  	_ =	shalt  }
0x49: {  	_ =	shalt  }
0x4a: {  	_ =	shalt  }
0x4b: {  	_ =	shalt  }
0x4c: {  	_ =	shalt  }
0x4d: {  	_ =	shalt  }
0x4e: {  	_ =	shalt  }
0x4f: {  	_ =	shalt  }
0x50: {  	_ =	shalt  }
0x51: {  	_ =	shalt  }
0x52: {  	_ =	shalt  }
0x53: {  	_ =	shalt  }
0x54: {  	_ =	shalt  }
0x55: {  	_ =	shalt  }
0x56: {  	_ =	shalt  }
0x57: {  	_ =	shalt  }
0x58: {  	_ =	shalt  }
0x59: {  	_ =	shalt  }
0x5a: {  	_ =	shalt  }
0x5b: {  	_ =	shalt  }
0x5c: {  	_ =	shalt  }
0x5d: {  	_ =	shalt  }
0x5e: {  	_ =	shalt  }
0x5f: {  	_ =	shalt  }
0x60: {  	_ =	shalt  }
0x61: {  	_ =	shalt  }
0x62: {  	_ =	shalt  }
0x63: {  	_ =	shalt  }
0x64: {  	_ =	shalt  }
0x65: {  	_ =	shalt  }
0x66: {  	_ =	shalt  }
0x67: {  	_ =	shalt  }
0x68: {  	_ =	shalt  }
0x69: {  	_ =	shalt  }
0x6a: {  	_ =	shalt  }
0x6b: {  	_ =	shalt  }
0x6c: {  	_ =	shalt  }
0x6d: {  	_ =	shalt  }
0x6e: {  	_ =	shalt  }
0x6f: {  	_ =	shalt  }
0x70: {  	_ =	shalt  }
0x71: {  	_ =	shalt  }
0x72: {  	_ =	shalt  }
0x73: {  	_ =	shalt  }
0x74: {  	_ =	shalt  }
0x75: {  	_ =	shalt  }
0x76: {  	_ =	shalt  }
0x77: {  	_ =	shalt  }
0x78: {  	_ =	shalt  }
0x79: {  	_ =	shalt  }
0x7a: {  	_ =	shalt  }
0x7b: {  	_ =	shalt  }
0x7c: {  	_ =	shalt  }
0x7d: {  	_ =	shalt  }
0x7e: {  	_ =	shalt  }
0x7f: {  	_ =	shalt  }
0x80: {  	_ =	shalt  }
0x81: {  	_ =	shalt  }
0x82: {  	_ =	shalt  }
0x83: {  	_ =	shalt  }
0x84: {  	_ =	shalt  }
0x85: {  	_ =	shalt  }
0x86: {  	_ =	shalt  }
0x87: {  	_ =	shalt  }
.Lfunc_end0:
.L_simem_size_0:
called_computation_lowered:
.L_overlay_start_0:
0x88: {  	s2 =	sld [smem:$0x3FD9]  }
0x89: {  	s3 =	sld [smem:$0x3FFE];
	_ =	sdelay $0x1  }
0x8a: {  	s1 =	srdreg.scid  }
0x8b: {  	s0 =	sand.u32 $0x1, s1  }
0x8c: {  	s17 =	sshll.u32 s0, $0xA;
	s2 =	sadd.s32 s3, s2  }
0x8d: {  	s2 =	sadd.s32 s2, s17  }
0x8e: {  	[smem:$0x3FC4] =	sst s2  }
0x8f: {  	_ = 	snop  }
0x90: {  	s2 =	sld [smem:$0x3FC8]  }
0x91: {  	s18 =	sld [smem:$0x3FC7]  }
0x92: {  	s4 =	sld [smem:$0x3FC6]  }
0x93: {  	s5 =	sld [smem:$0x3FD0];
	(tm) =	ssettm $0x1  }
0x94: {  	s6 =	sld [smem:$0x3FFB];
	_ =	sdelay $0x3  }
0x95: {  	_ =	strace s6  }
0x96: {  	s6 =	sld [smem:$0x3FFC];
	_ =	sdelay $0x3  }
0x97: {  	_ =	strace s6  }
0x98: {  	s6 =	sld [smem:$0x3FFD];
	_ =	sdelay $0x3  }
0x99: {  	_ =	strace s6  }
0x9a: {  	_ =	strace $0x8FFFFFFF  }
0x9b: {  	s19 =	sld [smem:$0x3FDB];
	_ =	sdelay $0x1  }
0x9c: {  	s7 =	simm.s32 $_scs_section_size  }
0x9d: {  	s8 =	simm.s32 $_size__tile_overlayer_lowered;
	s9 =	simm.s32 $_tile_overlayer_lowered  }
0x9e: {  	s22 =	simm.s32 $0x1BFF;
	s21 =	sshll.u32 s9, $0x1;
	s6 =	sadd.s32 s7, s19  }
0x9f: {  	s10 =	simm.s32 $0x0;
	s20 =	sshll.u32 s8, $0x1;
	s8 =	sadd.s32 s21, s6  }
0xa0: {  	[timem:s10], [sflag:s22] =	dma.local [hbm:s8], s20  }
0xa1: {  	_ =	swait.ge [sflag:s22], s20  }
0xa2: {  	s7 =	ssub.s32 $0x0, s20;
	[sflag:s22] =	ssyncset.done $0x0  }
0xa3: {  	[sflag:s22] =	ssyncadd.s32 s7;
	_ =	sdelay $0x1  }
0xa4: {  	s23 =	simm.s32 $0x1B8B  }
0xa5: {  	_ =	swait.ge [sflag:s23], $0x1  }
0xa6: {  	[sflag:s23] =	ssyncset.done $0x0  }
0xa7: {  	s25 =	simm.s32 $0x1B8E;
	s24 =	sld [smem:$0x3FFE];
	[sflag:s23] =	ssyncadd.s32 $0xFFFFFFFF  }
0xa8: {  	s26 =	simm.s32 $execute0_lowered;
	[smem:$0x3FD2] =	sst s25  }
0xa9: {  	s8 =	sshll.u32 s26, $0x1;
	_ =	strace $0x80000046;
	[dreg:$0x1] =	wrdreg $0xFFFFFFFF  }
0xaa: {  	s28 =	simm.s32 $_size_execute0_lowered;
	s6 =	sadd.s32 s6, s8;
	[dreg:$0x0] =	wrdreg $0x0  }
0xab: {  	s8 =	sshll.u32 s28, $0x1;
	[dreg:$0x2] =	wrdreg s6  }
0xac: {  	[dreg:$0x3] =	wrdreg s8  }
0xad: {  	[dreg:$0x4] =	wrdreg $0xC0  }
0xae: {  	_ =	task [dreg:s10], $0x5FFFF  }
0xaf: {  	[dreg:$0x1] =	wrdreg $0xFFFFFFFF  }
0xb0: {  	[dreg:$0x0] =	wrdreg $0x60  }
0xb1: {  	[dreg:$0x2] =	wrdreg s24  }
0xb2: {  	[dreg:$0x3] =	wrdreg s2  }
0xb3: {  	[dreg:$0x4] =	wrdreg s18  }
0xb4: {  	[dreg:$0x5] =	wrdreg s4  }
0xb5: {  	[dreg:$0x6] =	wrdreg s5  }
0xb6: {  	[dreg:$0x7] =	wrdreg $0x9  }
0xb7: {  	_ =	task.clear_ibuf [dreg:s10], $0x8FFFF;
	_ =	strace $0x90000046  }
0xb8: {  	s29 =	simm.s32 $0x9;
	_ =	strace $0x80000048  }
0xb9: {  	_ =	swait.ge [sflag:s29], $0x1  }
0xba: {  	[sflag:s29] =	ssyncadd.s32 $0xFFFFFFFF  }
0xbb: {  	_ =	strace $0x90000048  }
0xbc: {  	_ =	sfence  }
0xbd: {  	s30 =	sld [smem:$0x0];
	_ =	sdelay $0x2  }
0xbe: {  	s31 =	sshll.u32 s1, $0xD;
	s1 =	sshrl.u32 s1, $0x2  }
0xbf: {  	s3 =	sand.u32 $0x4000, s31;
	s1 =	sadd.s32 s1, s30  }
0xc0: {  	s0 =	sor.u32 s3, s0;
	s1 =	sshll.u32 s1, $0x11  }
0xc1: {  	s0 =	sor.u32 s1, s0  }
0xc2: {  	s0 =	sadd.s32 $0x8F2B, s0  }
0xc3: {  	[sflag:s0] =	ssyncadd.remote.s32 $0x1  }
0xc4: {  	_ =	sfence.sel $0xFFFF  }
0xc5: {  	[dreg:$0x0] =	wrdreg $0xFFFFFFFF;
	(pc) =	sbr.abs _section_cstart, $3  }
0xc6: {  	[dreg:$0x1] =	wrdreg $0xFFFFFFFF  }
0xc7: {  	_ =	task.clear_ibuf [dreg:s10], $0x2FFFF;
	_ =	strace $0x9FFFFFFF  }
0xc8: {  	(tm) =	ssettm $0x7FFFFFFF  }
0xc9: {  	_ =	shalt  }
tec
execute0_lowered:
.L_overlay_start_1:
0x0: {  	(tag) =	ssettag $0x1  }
0x1: {  	v0 =	vimm.s32 $0xEFCDAB89  }
0x2: {  	v1 =	vimm.s32 $0x67452301;
	v2 =	vimm.s32 $0xDCFE98BA;
	v3 =	vimm.s32 $0x54761032  }
0x3: {  	v4 =	vimm.s32 $0xBA98FEDC;
	v5 =	vimm.s32 $0x32107654;
	v6 =	vimm.s32 $0xFEDCBA98  }
0x4: {  	s7 =	rddreg [dreg:$0x0];
	v7 =	vimm.s32 $0x76543210;
	v0 =	vunpack.c.l.s4.s8 v0;
	v1 =	vunpack.c.l.s4.s8 v1  }
0x5: {  	s1 =	rddreg [dreg:$0x1];
	s3 =	srdreg.scid;
	v2 =	vunpack.c.l.s4.s8 v2;
	v3 =	vunpack.c.l.s4.s8 v3;
	v4 =	vunpack.c.l.s4.s8 v4  }
0x6: {  	s0 =	stileid.u32;
	s2 =	rddreg [dreg:$0x2];
	v5 =	vunpack.c.l.s4.s8 v5;
	v6 =	vunpack.c.l.s4.s8 v6;
	v7 =	vunpack.c.l.s4.s8 v7  }
0x7: {  	s5 =	rddreg [dreg:$0x4];
	s6 =	simm.s32 $0x0;
	s11 =	simm.s32 $0x7;
	v0 =	vunpack.c.0.s8.s32 v0;
	v1 =	vunpack.c.0.s8.s32 v1;
	v2 =	vunpack.c.0.s8.s32 v2  }
0x8: {  	s12 =	simm.s32 $0x12480;
	s13 =	simm.s32 $0x80;
	s14 =	simm.s32 $0x4;
	v3 =	vunpack.c.0.s8.s32 v3;
	v4 =	vunpack.c.0.s8.s32 v4;
	v5 =	vunpack.c.0.s8.s32 v5  }
0x9: {  	s15 =	simm.s32 $0x5;
	s8 =	sand.u32 $0x1, s3;
	s4 =	sshll.u32 s0, $0x1;
	v0 =	vcombine.low v1, v0;
	v1 =	vunpack.c.0.s8.s32 v6  }
0xa: {  	s16 =	simm.s32 $0x0;
	s3 =	rddreg [dreg:$0x3];
	s9 =	sor.u32 s8, s4;
	v2 =	vcombine.low v3, v2;
	v3 =	vcombine.low v5, v4;
	v4 =	vunpack.c.0.s8.s32 v7  }
0xb: {  	[smem:$0x7FF] =	sst s6;
	s8 =	ssub.s32 $0x2, s8;
	s10 =	smul.u32 $0xC80, s9;
	v5 =	vand.u32 $0xF, v1  }
0xc: {  	s4 =	rddreg [dreg:$0x5];
	_ =	strace $0x80000047;
	s31 =	sshrl.u32 s8, $0x1;
	v1 =	vcombine.low v5, v4  }
0xd: {  	s7 =	sadd.s32 s10, s7;
	s10 =	ssub.s32 s8, s31;
	s8 =	smul.u32 $0x320000, s9  }
0xe: {  	s7 =	sadd.s32 $0x400, s7;
	s9 =	smax.u32 s10, $0x1;
	s10 =	simm.s32 $0x12400;
	v0 =	vand.u32 $0xF, v0;
	v2 =	vand.u32 $0xF, v2;
	v3 =	vand.u32 $0xF, v3;
	[tilespmem:$0x1FFF0] =	vst v1  }
.LBB2_1:
0xf: {  	[tilespmem:s10], [sflag:$0x7] =	stream.linear.gather [hbm4b:s2+s6], $0x80, $0x38;
	[tilespmem:$0x12500] =	vst v63  }
0x10: {  	_ =	swait.ge [sflag:s11], $0x80  }
0x11: {  	[sflag:s11] =	ssyncset.done $0x0  }
0x12: {  	[sflag:s11] =	ssyncadd.s32 $0xFFFFFF80  }
0x13: {  	[tilespmem:s12], [sflag:$0x7] =	stream.linear.gather [hbm4b:s3+s6], $0x80, $0x38;
	[tilespmem:$0x12500] =	vst v63  }
0x14: {  	_ =	swait.ge [sflag:s11], $0x80  }
0x15: {  	[sflag:s11] =	ssyncset.done $0x0  }
0x16: {  	[sflag:s11] =	ssyncadd.s32 $0xFFFFFF80  }
0x17: {  	[tilespmem:s6], [sflag:$0x7] =	stream.linear.gather [hbm4b:s7+s6], $0x6400, $0x38;
	[tilespmem:$0x12500] =	vst v63  }
0x18: {  	_ =	swait.ge [sflag:s11], $0x6400  }
0x19: {  	[sflag:s11] =	ssyncset.done $0x0  }
0x1a: {  	s17 =	simm.s32 $0x6400;
	[sflag:s11] =	ssyncadd.s32 $0xFFFF9C00  }
0x1b: {  	[tilespmem:s17], [sflag:$0x1] =	stream.indirect.gather [hbm4b:s1+s13], $0x80, s6, s13, $0xb8;
	[tilespmem:$0x12500] =	vst v63  }
0x1c: {  	v62 =	vld [tilespmem:$0x124D0]  }
0x1d: {  	v4 =	vld [tilespmem:$0x12400]  }
0x1e: {  	v5 =	vld [tilespmem:$0x12410]  }
0x1f: {  	v6 =	vld [tilespmem:$0x12420]  }
0x20: {  	v7 =	vld [tilespmem:$0x12430]  }
0x21: {  	v8 =	vld [tilespmem:$0x12440];
	[tilespmem:$0x1FEF0] =	vst v62  }
0x22: {  	v12 =	vld [tilespmem:$0x12480];
	[tilespmem:$0x1FF00] =	vst v4  }
0x23: {  	v9 =	vld [tilespmem:$0x12450];
	[tilespmem:$0x1FF10] =	vst v5  }
0x24: {  	v10 =	vld [tilespmem:$0x12460];
	[tilespmem:$0x1FF20] =	vst v6  }
0x25: {  	v13 =	vld [tilespmem:$0x12490];
	[tilespmem:$0x1FF30] =	vst v7  }
0x26: {  	v11 =	vld [tilespmem:$0x12470];
	[tilespmem:$0x1FF40] =	vst v8  }
0x27: {  	v14 =	vld [tilespmem:$0x124A0];
	[tilespmem:$0x1FF50] =	vst v12  }
0x28: {  	v15 =	vld [tilespmem:$0x124B0];
	[tilespmem:$0x1FF60] =	vst v9  }
0x29: {  	v16 =	vld [tilespmem:$0x124C0];
	[tilespmem:$0x1FF70] =	vst v10  }
0x2a: {  	v17 =	vld [tilespmem:$0x124E0];
	[tilespmem:$0x1FF80] =	vst v13  }
0x2b: {  	v18 =	vld [tilespmem:$0x124F0];
	[tilespmem:$0x1FF90] =	vst v11  }
0x2c: {  	[tilespmem:$0x1FFA0] =	vst v14  }
0x2d: {  	[tilespmem:$0x1FFB0] =	vst v15  }
0x2e: {  	[tilespmem:$0x1FFC0] =	vst v16  }
0x2f: {  	[tilespmem:$0x1FFD0] =	vst v17  }
0x30: {  	s19 =	simm.s32 $0x0;
	[tilespmem:$0x1FFE0] =	vst v18  }
.LBB2_2:
0x31: {  	s18 =	sadd.s32 $0x1, s19  }
0x32: {  	s20 =	sand.u32 $0xFF, s18  }
0x33: {  	s20 =	smul.u32 $0xAB, s20;
	_ =	sdelay $0x1  }
0x34: {  	s20 =	sshrl.u32 s20, $0x9  }
0x35: {  	s20 =	smul.u32 $0x3, s20;
	_ =	sdelay $0x1  }
0x36: {  	s20 =	ssub.s32 s18, s20  }
0x37: {  	p0 =	slt.u32 s19, $0x2;
	s20 =	sand.u32 $0xFF, s20  }
0x38: {  	s21 =	sadd.s32 @!p0 $0x4, s20  }
0x39: {  	s28 =	smulhi.u32 $0xAAAAAAAB, s19;
	p1 =	seq.s32 @!p0 s19, $0xC7;
	_ =	swait.ge @!p0 [sflag:s21], $0x4000  }
0x3a: {  	s29 =	smul.u32 $0xAB, s19;
	p1 =	por p0, !p1;
	[sflag:s21] =	ssyncset.done @!p0 $0x0  }
0x3b: {  	s22 =	sshll.u32 @p1 s18, $0x7;
	[sflag:s21] =	ssyncadd.s32 @!p0 $0xFFFFC000;
	s21 =	sshll.u32 @p1 s20, $0xE  }
0x3c: {  	s22 =	sand.u32 @p1 $0x3FFFFF80, s22;
	s20 =	sadd.s32 @p1 $0x1, s20;
	s21 =	sadd.s32 @p1 $0x6400, s21  }
0x3d: {  	[tilespmem:s21], [sflag:s20] =	stream.indirect.gather @p1 [hbm4b:s1+s13], $0x80, s22, s13, $0xb8;
	[tilespmem:$0x12500] =	vst v63  }
0x3e: {  	s20 =	sshrl.u32 s28, $0x1;
	s21 =	sshrl.u32 s29, $0x9  }
0x3f: {  	s20 =	smul.u32 $0xFFFD0000, s20;
	s21 =	sand.u32 $0x7F, s21  }
0x40: {  	s21 =	smul.u32 $0x3, s21;
	_ =	sdelay $0x1  }
0x41: {  	s30 =	sshra.s32 s20, $0x2;
	s21 =	ssub.s32 s19, s21  }
0x42: {  	v20 =	vmov s30;
	s20 =	sand.u32 $0xFF, s21  }
0x43: {  	s21 =	sadd.s32 $0x1, s20  }
0x44: {  	_ =	swait.ge [sflag:s21], $0x4000  }
0x45: {  	[sflag:s21] =	ssyncset.done $0x0  }
0x46: {  	[sflag:s21] =	ssyncadd.s32 $0xFFFFC000  }
0x47: {  	v40 =	vld.idx.msk [tilespmem:v20+s17+$0x80 ss:$0x1], $0xffff  }
0x48: {  	v41 =	vld.idx.msk [tilespmem:v20+s17+$0x90 ss:$0x1], $0xffff;
	_ =	sdelay $0x1  }
0x49: {  	v37 =	vld.idx.msk [tilespmem:v20+s17+$0xA0 ss:$0x1], $0xffff;
	_ =	sdelay $0x1  }
0x4a: {  	v39 =	vld.idx.msk [tilespmem:v20+s17+$0xB0 ss:$0x1], $0xffff  }
0x4b: {  	v21 =	vld.idx.msk [tilespmem:v20+s17+$0x10 ss:$0x1], $0xffff;
	v22 =	vmul.f32 v40, v40;
	v23 =	vmul.f32 v41, v41;
	v24 =	vadd.f32 v41, v40  }
0x4c: {  	v42 =	vld.idx.msk [tilespmem:v20+s17+$0xC0 ss:$0x1], $0xffff  }
0x4d: {  	v25 =	vld.idx.msk [tilespmem:v20+s17+$0x0 ss:$0x1], $0xffff;
	v22 =	vadd.f32 v23, v22;
	v23 =	vmul.f32 v37, v37;
	v24 =	vadd.f32 v37, v24  }
0x4e: {  	v43 =	vld.idx.msk [tilespmem:v20+s17+$0xD0 ss:$0x1], $0xffff  }
0x4f: {  	v29 =	vld.idx.msk [tilespmem:v20+s17+$0x20 ss:$0x1], $0xffff;
	v22 =	vadd.f32 v23, v22;
	v23 =	vmul.f32 v39, v39;
	v24 =	vadd.f32 v39, v24  }
0x50: {  	v46 =	vld.idx.msk [tilespmem:v20+s17+$0xE0 ss:$0x1], $0xffff  }
0x51: {  	v19 =	vld.idx.msk [tilespmem:v20+s17+$0x30 ss:$0x1], $0xffff;
	v22 =	vadd.f32 v23, v22;
	v23 =	vmul.f32 v42, v42;
	v24 =	vadd.f32 v42, v24  }
0x52: {  	v45 =	vld.idx.msk [tilespmem:v20+s17+$0xF0 ss:$0x1], $0xffff;
	v26 =	vmul.f32 v21, v21;
	v27 =	vmul.f32 v25, v25;
	v28 =	vadd.f32 v21, v25  }
0x53: {  	v32 =	vld.idx.msk [tilespmem:v20+s17+$0x40 ss:$0x1], $0xffff;
	v31 =	vmul.f32 v43, v43;
	v22 =	vadd.f32 v23, v22;
	v23 =	vadd.f32 v43, v24  }
0x54: {  	v24 =	vadd.f32 v26, v27;
	v26 =	vmul.f32 v29, v29;
	v27 =	vadd.f32 v29, v28  }
0x55: {  	v34 =	vld.idx.msk [tilespmem:v20+s17+$0x50 ss:$0x1], $0xffff;
	v28 =	vmul.f32 v46, v46;
	v22 =	vadd.f32 v31, v22;
	v23 =	vadd.f32 v46, v23  }
0x56: {  	v31 =	vmul.f32 v19, v19;
	v24 =	vadd.f32 v26, v24;
	v26 =	vadd.f32 v19, v27  }
0x57: {  	v35 =	vld.idx.msk [tilespmem:v20+s17+$0x60 ss:$0x1], $0xffff;
	v27 =	vmul.f32 v45, v45;
	v22 =	vadd.f32 v28, v22;
	v23 =	vadd.f32 v45, v23  }
0x58: {  	v24 =	vadd.f32 v31, v24;
	v28 =	vmul.f32 v32, v32  }
0x59: {  	v38 =	vld.idx.msk [tilespmem:v20+s17+$0x70 ss:$0x1], $0xffff;
	v26 =	vadd.f32 v32, v26;
	v22 =	vadd.f32 v27, v22;
	v27 =	vperm.xlane v23, v0  }
0x5a: {  	v24 =	vadd.f32 v28, v24;
	v28 =	vmul.f32 v34, v34  }
0x5b: {  	v26 =	vadd.f32 v34, v26;
	v23 =	vadd.f32 v27, v23;
	v27 =	vperm.xlane v22, v0  }
0x5c: {  	v31 =	vmul.f32 v35, v35;
	v24 =	vadd.f32 v28, v24  }
0x5d: {  	v26 =	vadd.f32 v35, v26;
	v28 =	vperm.xlane v23, v2;
	v22 =	vadd.f32 v27, v22  }
0x5e: {  	v27 =	vmul.f32 v38, v38;
	v24 =	vadd.f32 v31, v24  }
0x5f: {  	v26 =	vadd.f32 v38, v26;
	v23 =	vadd.f32 v28, v23;
	v28 =	vperm.xlane v22, v2  }
0x60: {  	v24 =	vadd.f32 v27, v24  }
0x61: {  	v27 =	vperm.xlane v26, v0;
	v31 =	vperm.xlane v23, v3;
	v22 =	vadd.f32 v28, v22  }
0x62: {  	v28 =	vperm.xlane v24, v0  }
0x63: {  	v26 =	vadd.f32 v27, v26;
	v23 =	vadd.f32 v31, v23;
	v27 =	vperm.xlane v22, v3  }
0x64: {  	v24 =	vadd.f32 v28, v24  }
0x65: {  	v28 =	vperm.xlane v26, v2;
	v31 =	vperm.xlane v23, v1;
	v22 =	vadd.f32 v27, v22  }
0x66: {  	v27 =	vperm.xlane v24, v2  }
0x67: {  	v26 =	vadd.f32 v28, v26;
	v23 =	vadd.f32 v31, v23;
	v28 =	vperm.xlane v22, v1  }
0x68: {  	v24 =	vadd.f32 v27, v24  }
0x69: {  	v27 =	vperm.xlane v26, v3;
	v47 =	vmul.f32 $7.812500000e-03, v23;
	v22 =	vadd.f32 v28, v22  }
0x6a: {  	v23 =	vperm.xlane v24, v3  }
0x6b: {  	v26 =	vadd.f32 v27, v26;
	v22 =	vmul.f32 $7.812500000e-03, v22;
	v27 =	vmul.f32 v47, v47;
	_ =	sdelay $0x1  }
0x6c: {  	v23 =	vadd.f32 v23, v24;
	v24 =	vperm.xlane v26, v1;
	v22 =	vsub.f32 v22, v27;
	_ =	sdelay $0x1  }
0x6d: {  	v27 =	vperm.xlane v23, v1;
	v24 =	vadd.f32 v24, v26;
	v22 =	vmax.f32 v22, $0.0e+00  }
0x6e: {  	v22 =	vadd.f32 $9.999999960e-13, v22  }
0x6f: {  	v23 =	vadd.f32 v27, v23;
	v48 =	vmul.f32 $7.812500000e-03, v24  }
0x70: {  	s21 =	sadd.s32 $0x100, s17;
	v49 =	vmul.f32 $5.000000000e-01, v22  }
0x71: {  	v33 =	vld.idx.msk [tilespmem:v20+s21+$0x10 ss:$0x1], $0xffff;
	v24 =	vshra.s32 v22, $0x1;
	v22 =	vmul.f32 $7.812500000e-03, v23;
	v23 =	vmul.f32 v48, v48  }
0x72: {  	v28 =	vld.idx.msk [tilespmem:v20+s21+$0x90 ss:$0x1], $0xffff;
	v36 =	vsub.s32 $0x5F3759DF, v24  }
0x73: {  	v24 =	vmul.f32 v36, v49;
	v23 =	vsub.f32 v22, v23  }
0x74: {  	v26 =	vld.idx.msk [tilespmem:v20+s21+$0x80 ss:$0x1], $0xffff;
	v22 =	vsub.f32 v19, v48;
	v19 =	vsub.f32 v32, v48  }
0x75: {  	v27 =	vsub.f32 v21, v48;
	v21 =	vmul.f32 v36, v24  }
0x76: {  	v24 =	vsub.f32 v29, v48;
	v29 =	vld.idx.msk [tilespmem:v20+s21+$0xA0 ss:$0x1], $0xffff;
	[tilespmem:$0x1FEB0] =	vst v19;
	v19 =	vsub.f32 v34, v48  }
0x77: {  	v62 =	vmul.f32 v33, v33;
	v46 =	vsub.f32 v46, v47;
	v52 =	vmul.f32 v28, v28  }
0x78: {  	v23 =	vmax.f32 v23, $0.0e+00;
	v50 =	vsub.f32 $1.500000000e+00, v21;
	[tilespmem:$0x1FEC0] =	vst v19;
	v19 =	vsub.f32 v35, v48  }
0x79: {  	v30 =	vsub.f32 v25, v48;
	v61 =	vmul.f32 v26, v26;
	v25 =	vadd.f32 $9.999999960e-13, v23;
	v21 =	vld.idx.msk [tilespmem:v20+s21+$0x0 ss:$0x1], $0xffff  }
0x7a: {  	v45 =	vsub.f32 v45, v47;
	[tilespmem:$0x1FED0] =	vst v19;
	v50 =	vmul.f32 v36, v50;
	v19 =	vsub.f32 v38, v48  }
0x7b: {  	v53 =	vadd.f32 v28, v26;
	v52 =	vadd.f32 v52, v61;
	v60 =	vshra.s32 v25, $0x1;
	v32 =	vld.idx.msk [tilespmem:v20+s21+$0xB0 ss:$0x1], $0xffff  }
0x7c: {  	v61 =	vsub.f32 v39, v47;
	v57 =	vsub.s32 $0x5F3759DF, v60;
	v36 =	vld.idx.msk [tilespmem:v20+s21+$0x20 ss:$0x1], $0xffff;
	[tilespmem:$0x1FEE0] =	vst v19;
	v49 =	vmul.f32 v50, v49  }
0x7d: {  	v60 =	vsub.f32 v37, v47;
	v54 =	vmul.f32 v29, v29;
	v63 =	vadd.f32 v29, v53;
	v38 =	vld.idx.msk [tilespmem:v20+s21+$0x30 ss:$0x1], $0xffff  }
0x7e: {  	v53 =	vsub.f32 v41, v47;
	v34 =	vld.idx.msk [tilespmem:v20+s21+$0xC0 ss:$0x1], $0xffff;
	v55 =	vmul.f32 v21, v21;
	v49 =	vmul.f32 v49, v50  }
0x7f: {  	v52 =	vadd.f32 v54, v52;
	v35 =	vld.idx.msk [tilespmem:v20+s21+$0xD0 ss:$0x1], $0xffff;
	v56 =	vadd.f32 v33, v21  }
0x80: {  	v37 =	vld.idx.msk [tilespmem:v20+s21+$0xE0 ss:$0x1], $0xffff;
	v44 =	vmul.f32 v32, v32;
	v48 =	vadd.f32 v62, v55;
	v49 =	vsub.f32 $1.500000000e+00, v49  }
0x81: {  	v41 =	vld.idx.msk [tilespmem:v20+s21+$0x40 ss:$0x1], $0xffff;
	v54 =	vmul.f32 v36, v36;
	v58 =	vadd.f32 v32, v63;
	v62 =	vsub.f32 v42, v47  }
0x82: {  	v55 =	vmul.f32 v38, v38;
	v52 =	vadd.f32 v44, v52;
	v49 =	vmul.f32 v49, v50  }
0x83: {  	v50 =	vsub.f32 v40, v47;
	v59 =	vmul.f32 v34, v34;
	v44 =	vsub.f32 v43, v47  }
0x84: {  	v43 =	vadd.f32 v34, v58;
	v58 =	vmul.f32 v35, v35;
	v39 =	vmul.f32 v49, v4  }
0x85: {  	v40 =	vld.idx.msk [tilespmem:v20+s21+$0xF0 ss:$0x1], $0xffff;
	v63 =	vmul.f32 v49, v5;
	v52 =	vadd.f32 v59, v52;
	v59 =	vadd.f32 v54, v48  }
0x86: {  	v48 =	vadd.f32 v36, v56;
	v54 =	vmul.f32 v37, v37;
	v56 =	vmul.f32 v41, v41  }
0x87: {  	v50 =	vmul.f32 v39, v50;
	v39 =	vadd.f32 v35, v43;
	v52 =	vadd.f32 v58, v52  }
0x88: {  	v42 =	vld.idx.msk [tilespmem:v20+s21+$0x50 ss:$0x1], $0xffff;
	v55 =	vadd.f32 v55, v59;
	v48 =	vadd.f32 v38, v48;
	v58 =	vmul.f32 v49, v6  }
0x89: {  	v53 =	vmul.f32 v63, v53;
	v39 =	vadd.f32 v37, v39;
	v52 =	vadd.f32 v54, v52  }
0x8a: {  	v43 =	vld.idx.msk [tilespmem:v20+s21+$0x60 ss:$0x1], $0xffff;
	v54 =	vmul.f32 v40, v40;
	v55 =	vadd.f32 v56, v55;
	v48 =	vadd.f32 v41, v48  }
0x8b: {  	v56 =	vmul.f32 v49, v7;
	v50 =	vadd.f32 v50, v12;
	v53 =	vadd.f32 v53, v13  }
0x8c: {  	v58 =	vmul.f32 v58, v60;
	v59 =	vadd.f32 v40, v39;
	v52 =	vadd.f32 v54, v52  }
0x8d: {  	v39 =	vld.idx.msk [tilespmem:v20+s21+$0x70 ss:$0x1], $0xffff;
	v54 =	vmul.f32 v42, v42;
	v48 =	vadd.f32 v42, v48;
	[tilespmem:v20+s17+$0x80 ss:$0x1] =	vst.idx.msk $0xffff, v50  }
0x8e: {  	v58 =	vadd.f32 v58, v14;
	[tilespmem:v20+s17+$0x90 ss:$0x1] =	vst.idx.msk $0xffff, v53;
	v63 =	vperm.xlane v59, v0  }
0x8f: {  	v54 =	vadd.f32 v54, v55;
	v55 =	vperm.xlane v52, v0;
	v48 =	vadd.f32 v43, v48  }
0x90: {  	v51 =	vmul.f32 $5.000000000e-01, v25;
	[tilespmem:v20+s17+$0xA0 ss:$0x1] =	vst.idx.msk $0xffff, v58;
	v47 =	vadd.f32 v63, v59;
	v63 =	vmul.f32 v43, v43  }
0x91: {  	v52 =	vadd.f32 v55, v52;
	v55 =	vmul.f32 v56, v61;
	v61 =	vmul.f32 v49, v8  }
0x92: {  	v56 =	vmul.f32 v39, v39;
	v54 =	vadd.f32 v63, v54;
	v59 =	vperm.xlane v47, v2  }
0x93: {  	v48 =	vadd.f32 v39, v48;
	v60 =	vperm.xlane v52, v2;
	v61 =	vmul.f32 v61, v62  }
0x94: {  	v63 =	vmul.f32 v49, v10;
	v54 =	vadd.f32 v56, v54;
	v56 =	vmul.f32 v57, v51  }
0x95: {  	v55 =	vadd.f32 v55, v15;
	v47 =	vadd.f32 v59, v47;
	v59 =	vperm.xlane v48, v0  }
0x96: {  	v52 =	vadd.f32 v60, v52;
	v60 =	vmul.f32 v49, v9;
	v56 =	vmul.f32 v57, v56  }
0x97: {  	v49 =	vmul.f32 v49, v11;
	v12 =	vperm.xlane v54, v0;
	v48 =	vadd.f32 v59, v48  }
0x98: {  	v46 =	vmul.f32 v63, v46;
	[tilespmem:v20+s17+$0xB0 ss:$0x1] =	vst.idx.msk $0xffff, v55;
	v50 =	vsub.f32 $1.500000000e+00, v56;
	v56 =	vperm.xlane v47, v3  }
0x99: {  	v59 =	vperm.xlane v52, v3;
	v54 =	vadd.f32 v12, v54;
	v12 =	vperm.xlane v48, v2  }
0x9a: {  	v44 =	vmul.f32 v60, v44;
	v50 =	vmul.f32 v57, v50;
	v47 =	vadd.f32 v56, v47  }
0x9b: {  	v52 =	vadd.f32 v59, v52;
	v48 =	vadd.f32 v12, v48;
	v12 =	vperm.xlane v54, v2  }
0x9c: {  	v59 =	vadd.f32 v61, v16;
	v51 =	vmul.f32 v50, v51;
	v14 =	vperm.xlane v47, v1  }
0x9d: {  	v19 =	vmovc v4;
	v4 =	vld [tilespmem:$0x1FEF0];
	v15 =	vperm.xlane v52, v1;
	v54 =	vadd.f32 v12, v54;
	v16 =	vperm.xlane v48, v3  }
0x9e: {  	v45 =	vmul.f32 v49, v45;
	v51 =	vmul.f32 v51, v50;
	v47 =	vadd.f32 v14, v47  }
0x9f: {  	v61 =	vadd.f32 v15, v52;
	v60 =	vperm.xlane v54, v3;
	v48 =	vadd.f32 v16, v48  }
0xa0: {  	v45 =	vadd.f32 v45, v18;
	v51 =	vsub.f32 $1.500000000e+00, v51;
	v49 =	vmul.f32 $7.812500000e-03, v47  }
0xa1: {  	v62 =	vadd.f32 v60, v54;
	v47 =	vmul.f32 $7.812500000e-03, v61;
	v13 =	vperm.xlane v48, v1  }
0xa2: {  	v44 =	vadd.f32 v44, v4;
	v58 =	vmul.f32 v51, v50;
	v63 =	vmul.f32 v49, v49  }
0xa3: {  	[tilespmem:v20+s17+$0xC0 ss:$0x1] =	vst.idx.msk $0xffff, v59;
	v12 =	vadd.f32 v46, v17;
	v14 =	vperm.xlane v62, v1  }
0xa4: {  	v48 =	vadd.f32 v13, v48;
	v47 =	vsub.f32 v47, v63;
	v54 =	vmul.f32 v58, v19  }
0xa5: {  	v51 =	vmul.f32 v58, v5;
	v15 =	vadd.f32 v14, v62;
	v53 =	vmul.f32 v58, v6  }
0xa6: {  	[tilespmem:v20+s17+$0xD0 ss:$0x1] =	vst.idx.msk $0xffff, v44;
	v52 =	vmul.f32 v58, v7;
	v46 =	vmul.f32 v58, v8;
	v47 =	vmax.f32 v47, $0.0e+00  }
0xa7: {  	[tilespmem:v20+s17+$0xE0 ss:$0x1] =	vst.idx.msk $0xffff, v12;
	v50 =	vmul.f32 $7.812500000e-03, v48;
	v44 =	vmul.f32 v58, v10;
	v16 =	vadd.f32 $9.999999960e-13, v47  }
0xa8: {  	[tilespmem:v20+s17+$0xF0 ss:$0x1] =	vst.idx.msk $0xffff, v45;
	v45 =	vmul.f32 v58, v11;
	v55 =	vmul.f32 $7.812500000e-03, v15  }
0xa9: {  	s24 =	simm.s32 $0x2;
	s31 =	sshll.u32 s20, $0xE;
	v56 =	vmul.f32 v50, v50;
	v48 =	vsub.f32 v21, v50;
	v17 =	vshra.s32 v16, $0x1  }
0xaa: {  	s23 =	smov.u32 s17;
	s22 =	sadd.s32 $0x6400, s31;
	s25 =	sadd.s32 $0x100, s21;
	v25 =	vmovc v29;
	v1 =	vmovc v0;
	v47 =	vmul.f32 v58, v9;
	v60 =	vmul.f32 $5.000000000e-01, v16;
	v59 =	vsub.s32 $0x5F3759DF, v17  }
.LBB2_3:
0xab: {  	_ = 	snop  }
0xac: {  	v9 =	vmul.f32 v59, v60;
	_ =	sdelay $0x1  }
0xad: {  	v11 =	vmul.f32 v59, v9  }
0xae: {  	v61 =	vld.idx.msk [tilespmem:v20+s25+$0x80 ss:$0x1], $0xffff  }
0xaf: {  	v62 =	vld.idx.msk [tilespmem:v20+s25+$0x90 ss:$0x1], $0xffff;
	v58 =	vsub.f32 v41, v50;
	v41 =	vsub.f32 $1.500000000e+00, v11  }
0xb0: {  	v57 =	vsub.f32 v33, v50;
	v33 =	vld.idx.msk [tilespmem:v20+s25+$0x10 ss:$0x1], $0xffff  }
0xb1: {  	v4 =	vld.idx.msk [tilespmem:v20+s25+$0xA0 ss:$0x1], $0xffff;
	v55 =	vsub.f32 v55, v56;
	v6 =	vmul.f32 v59, v41  }
0xb2: {  	v36 =	vsub.f32 v36, v50;
	v38 =	vsub.f32 v38, v50;
	v5 =	vld.idx.msk [tilespmem:v20+s25+$0xB0 ss:$0x1], $0xffff;
	v0 =	vmov v48  }
0xb3: {  	v56 =	vsub.f32 v42, v50;
	v48 =	vld.idx.msk [tilespmem:v20+s25+$0x0 ss:$0x1], $0xffff;
	v10 =	vmax.f32 v55, $0.0e+00;
	v17 =	vmul.f32 v6, v60  }
0xb4: {  	v31 =	vld [tilespmem:$0x1FF80];
	[tilespmem:$0x1FE90] =	vst v0;
	v7 =	vmovc v36;
	v63 =	vmul.f32 v54, v30;
	v54 =	vadd.f32 $9.999999960e-13, v10;
	v12 =	vmul.f32 v51, v27  }
0xb5: {  	v0 =	vmovc v57;
	v51 =	vsub.f32 v43, v50;
	v55 =	vmul.f32 v53, v24;
	v60 =	vmul.f32 v17, v6  }
0xb6: {  	[tilespmem:$0x1FE80] =	vst v7;
	v13 =	vshra.s32 v54, $0x1;
	v53 =	vmul.f32 $5.000000000e-01, v54;
	v54 =	vmul.f32 v52, v22;
	v22 =	vld [tilespmem:$0x1FF10]  }
0xb7: {  	v7 =	vld.idx.msk [tilespmem:v20+s25+$0xC0 ss:$0x1], $0xffff;
	v50 =	vsub.f32 v39, v50;
	[tilespmem:$0x1FEA0] =	vst v0;
	v14 =	vmul.f32 v61, v61;
	v60 =	vsub.f32 $1.500000000e+00, v60  }
0xb8: {  	v15 =	vmul.f32 v62, v62;
	v16 =	vmul.f32 v33, v33;
	v8 =	vadd.f32 v62, v61;
	v0 =	vmovc v38  }
0xb9: {  	v52 =	vadd.f32 v12, v31;
	v10 =	vmul.f32 v48, v48;
	[tilespmem:$0x1FE70] =	vst v0;
	v0 =	vld [tilespmem:$0x1FF00];
	v6 =	vmul.f32 v60, v6  }
0xba: {  	v9 =	vmul.f32 v4, v4;
	v39 =	vadd.f32 v15, v14;
	v14 =	vsub.f32 v25, v49;
	v25 =	vld [tilespmem:$0x1FF30]  }
0xbb: {  	v10 =	vadd.f32 v16, v10;
	v60 =	vsub.f32 v28, v49;
	v16 =	vmul.f32 v6, v22  }
0xbc: {  	v27 =	vld [tilespmem:$0x1FF50];
	v29 =	vmovc v61;
	v12 =	vmul.f32 v5, v5;
	v8 =	vadd.f32 v4, v8;
	v9 =	vadd.f32 v9, v39  }
0xbd: {  	v61 =	vmul.f32 v7, v7;
	v17 =	vsub.f32 v34, v49;
	v34 =	vmovc v7;
	v7 =	vmul.f32 v16, v60;
	v60 =	vld [tilespmem:$0x1FF60]  }
0xbe: {  	v24 =	vld [tilespmem:$0x1FF20];
	v9 =	vadd.f32 v12, v9;
	v12 =	vsub.f32 v26, v49;
	v28 =	vmovc v62;
	v62 =	vmul.f32 v6, v0  }
0xbf: {  	v15 =	vsub.f32 v32, v49;
	v18 =	vmul.f32 v6, v25  }
0xc0: {  	v21 =	vmov v5;
	v8 =	vadd.f32 v5, v8;
	v26 =	vld [tilespmem:$0x1FF40];
	v5 =	vmul.f32 v62, v12  }
0xc1: {  	v19 =	vsub.f32 v35, v49;
	v59 =	vadd.f32 v63, v27;
	v15 =	vmul.f32 v18, v15;
	v18 =	vld [tilespmem:$0x1FFA0]  }
0xc2: {  	v62 =	vsub.f32 v37, v49;
	v5 =	vadd.f32 v5, v27;
	v27 =	vld [tilespmem:$0x1FF70];
	v37 =	vmul.f32 v6, v60  }
0xc3: {  	v30 =	vmov v4;
	v4 =	vmul.f32 v6, v24  }
0xc4: {  	v32 =	vmul.f32 v37, v19;
	v19 =	vld [tilespmem:$0x1FFC0]  }
0xc5: {  	v12 =	vmul.f32 v6, v26;
	v4 =	vmul.f32 v4, v14  }
0xc6: {  	v7 =	vadd.f32 v7, v31;
	[tilespmem:v20+s21+$0x80 ss:$0x1] =	vst.idx.msk $0xffff, v5  }
0xc7: {  	v5 =	vmul.f32 v12, v17;
	v17 =	vld [tilespmem:$0x1FFB0];
	v4 =	vadd.f32 v4, v18;
	v14 =	vmul.f32 v6, v27  }
0xc8: {  	v35 =	vld.idx.msk [tilespmem:v20+s25+$0xD0 ss:$0x1], $0xffff;
	[tilespmem:v20+s21+$0x90 ss:$0x1] =	vst.idx.msk $0xffff, v7  }
0xc9: {  	[tilespmem:v20+s21+$0xA0 ss:$0x1] =	vst.idx.msk $0xffff, v4;
	v4 =	vadd.f32 v5, v19;
	v5 =	vmul.f32 v14, v62;
	v62 =	vld [tilespmem:$0x1FEF0]  }
0xca: {  	v36 =	vld.idx.msk [tilespmem:v20+s25+$0x20 ss:$0x1], $0xffff  }
0xcb: {  	v31 =	vld [tilespmem:$0x1FF90]  }
0xcc: {  	v40 =	vsub.f32 v40, v49;
	v38 =	vld.idx.msk [tilespmem:v20+s25+$0x30 ss:$0x1], $0xffff;
	v49 =	vadd.f32 v15, v17  }
0xcd: {  	v37 =	vld.idx.msk [tilespmem:v20+s25+$0xE0 ss:$0x1], $0xffff  }
0xce: {  	[tilespmem:v20+s21+$0xB0 ss:$0x1] =	vst.idx.msk $0xffff, v49;
	v49 =	vadd.f32 v32, v62;
	v32 =	vld [tilespmem:$0x1FFD0]  }
0xcf: {  	v41 =	vld.idx.msk [tilespmem:v20+s25+$0x40 ss:$0x1], $0xffff;
	v63 =	vmul.f32 v36, v36  }
0xd0: {  	v11 =	vadd.f32 v33, v48;
	v6 =	vmul.f32 v6, v31  }
0xd1: {  	v23 =	vld [tilespmem:$0x1FFE0];
	v57 =	vsub.s32 $0x5F3759DF, v13;
	v63 =	vadd.f32 v63, v10;
	v13 =	vmul.f32 v38, v38  }
0xd2: {  	v8 =	vadd.f32 v34, v8;
	v61 =	vadd.f32 v61, v9;
	v6 =	vmul.f32 v6, v40;
	v40 =	vld.idx.msk [tilespmem:v20+s25+$0xF0 ss:$0x1], $0xffff  }
0xd3: {  	v42 =	vld.idx.msk [tilespmem:v20+s25+$0x50 ss:$0x1], $0xffff;
	[tilespmem:v20+s21+$0xC0 ss:$0x1] =	vst.idx.msk $0xffff, v4;
	v4 =	vadd.f32 v5, v32;
	v5 =	vmul.f32 v35, v35  }
0xd4: {  	v8 =	vadd.f32 v35, v8;
	v16 =	vmul.f32 v41, v41;
	v15 =	vadd.f32 v13, v63  }
0xd5: {  	v43 =	vld.idx.msk [tilespmem:v20+s25+$0x60 ss:$0x1], $0xffff;
	v14 =	vmul.f32 v37, v37;
	[tilespmem:v20+s21+$0xD0 ss:$0x1] =	vst.idx.msk $0xffff, v49;
	v5 =	vadd.f32 v5, v61  }
0xd6: {  	v6 =	vadd.f32 v6, v23;
	[tilespmem:v20+s21+$0xE0 ss:$0x1] =	vst.idx.msk $0xffff, v4;
	v4 =	vadd.f32 v36, v11  }
0xd7: {  	v39 =	vld.idx.msk [tilespmem:v20+s25+$0x70 ss:$0x1], $0xffff;
	v12 =	vadd.f32 v37, v8;
	v49 =	vmul.f32 v40, v40;
	v5 =	vadd.f32 v14, v5  }
0xd8: {  	v8 =	vadd.f32 v16, v15;
	v61 =	vmul.f32 v42, v42;
	v4 =	vadd.f32 v38, v4  }
0xd9: {  	[tilespmem:v20+s21+$0xF0 ss:$0x1] =	vst.idx.msk $0xffff, v6;
	v6 =	vadd.f32 v40, v12;
	v5 =	vadd.f32 v49, v5;
	v49 =	vld [tilespmem:$0x1FEB0]  }
0xda: {  	[tilespmem:v20+s23+$0x0 ss:$0x1] =	vst.idx.msk $0xffff, v59;
	v63 =	vmul.f32 v43, v43;
	v4 =	vadd.f32 v41, v4  }
0xdb: {  	v16 =	vmul.f32 v57, v53;
	v8 =	vadd.f32 v61, v8;
	v15 =	vperm.xlane v6, v1  }
0xdc: {  	v9 =	vmul.f32 v39, v39;
	v4 =	vadd.f32 v42, v4;
	v7 =	vperm.xlane v5, v1  }
0xdd: {  	v16 =	vmul.f32 v57, v16;
	v8 =	vadd.f32 v63, v8;
	v6 =	vadd.f32 v15, v6  }
0xde: {  	v4 =	vadd.f32 v43, v4;
	v5 =	vadd.f32 v7, v5;
	v10 =	vmul.f32 v46, v49;
	v46 =	vld [tilespmem:$0x1FEC0]  }
0xdf: {  	[tilespmem:v20+s23+$0x10 ss:$0x1] =	vst.idx.msk $0xffff, v52;
	v8 =	vadd.f32 v9, v8;
	v63 =	vperm.xlane v6, v2  }
0xe0: {  	v61 =	vmovc v58;
	v7 =	vsub.f32 $1.500000000e+00, v16;
	v4 =	vadd.f32 v39, v4;
	v58 =	vperm.xlane v5, v2  }
0xe1: {  	v17 =	vadd.f32 v54, v17;
	[tilespmem:$0x1FEB0] =	vst v61;
	v6 =	vadd.f32 v63, v6;
	v63 =	vperm.xlane v8, v1  }
0xe2: {  	v49 =	vmovc v56;
	v7 =	vmul.f32 v57, v7;
	v61 =	vperm.xlane v4, v1;
	v5 =	vadd.f32 v58, v5;
	v58 =	vld [tilespmem:$0x1FFF0]  }
0xe3: {  	v14 =	vadd.f32 v55, v18;
	v9 =	vmul.f32 v47, v46;
	v46 =	vperm.xlane v6, v3  }
0xe4: {  	[tilespmem:$0x1FEC0] =	vst v49;
	v8 =	vadd.f32 v63, v8;
	v4 =	vadd.f32 v61, v4;
	v61 =	vld [tilespmem:$0x1FEE0]  }
0xe5: {  	v49 =	vmovc v51;
	v55 =	vmul.f32 v7, v53;
	v51 =	vperm.xlane v5, v3;
	v6 =	vadd.f32 v46, v6  }
0xe6: {  	[tilespmem:v20+s23+$0x20 ss:$0x1] =	vst.idx.msk $0xffff, v14;
	v57 =	vperm.xlane v8, v2;
	v47 =	vld [tilespmem:$0x1FED0];
	v56 =	vperm.xlane v4, v2  }
0xe7: {  	v10 =	vadd.f32 v10, v19;
	v5 =	vadd.f32 v51, v5;
	v18 =	vperm.xlane v6, v58  }
0xe8: {  	v59 =	vmul.f32 v55, v7;
	v8 =	vadd.f32 v57, v8;
	v4 =	vadd.f32 v56, v4  }
0xe9: {  	v13 =	vmul.f32 v45, v61;
	v45 =	vperm.xlane v5, v58;
	v6 =	vadd.f32 v18, v6  }
0xea: {  	[tilespmem:v20+s23+$0x30 ss:$0x1] =	vst.idx.msk $0xffff, v17;
	v12 =	vsub.f32 $1.500000000e+00, v59;
	v46 =	vperm.xlane v4, v3;
	v18 =	vperm.xlane v8, v3  }
0xeb: {  	[tilespmem:$0x1FED0] =	vst v49;
	v11 =	vmul.f32 v44, v47;
	v5 =	vadd.f32 v45, v5;
	v49 =	vmul.f32 $7.812500000e-03, v6  }
0xec: {  	v6 =	vmul.f32 v12, v7;
	v4 =	vadd.f32 v46, v4;
	v47 =	vadd.f32 v18, v8  }
0xed: {  	[tilespmem:v20+s23+$0x40 ss:$0x1] =	vst.idx.msk $0xffff, v10;
	v9 =	vadd.f32 v9, v62;
	v5 =	vmul.f32 $7.812500000e-03, v5;
	v56 =	vmul.f32 v49, v49  }
0xee: {  	v11 =	vadd.f32 v11, v32;
	v57 =	vperm.xlane v4, v58;
	v58 =	vperm.xlane v47, v58  }
0xef: {  	s24 =	sadd.s32 $0x2, s24;
	v54 =	vmul.f32 v6, v0;
	v51 =	vmul.f32 v6, v22;
	v5 =	vsub.f32 v5, v56  }
0xf0: {  	p0 =	slt.u32 s24, $0x7E;
	v63 =	vmovc v50;
	v53 =	vmul.f32 v6, v24;
	v52 =	vmul.f32 v6, v25;
	v4 =	vadd.f32 v57, v4  }
.Ltmp0:
0xf1: {  	[tilespmem:$0x1FEE0] =	vst v63;
	v46 =	vmul.f32 v6, v26;
	v44 =	vmul.f32 v6, v27;
	v5 =	vmax.f32 v5, $0.0e+00;
	(pc) =	sbr.rel @p0 .LBB2_3-.Ltmp0, $4  }
0xf2: {  	[tilespmem:v20+s23+$0x50 ss:$0x1] =	vst.idx.msk $0xffff, v9;
	v22 =	vld [tilespmem:$0x1FE70];
	v7 =	vadd.f32 v58, v47;
	v50 =	vmul.f32 $7.812500000e-03, v4;
	v4 =	vadd.f32 $9.999999960e-13, v5  }
0xf3: {  	v32 =	vmovc v21;
	v24 =	vld [tilespmem:$0x1FE80];
	v45 =	vmul.f32 v6, v31;
	v47 =	vmul.f32 v6, v60;
	v5 =	vadd.f32 v13, v23  }
0xf4: {  	[tilespmem:v20+s23+$0x60 ss:$0x1] =	vst.idx.msk $0xffff, v11;
	v25 =	vmovc v30;
	v30 =	vld [tilespmem:$0x1FE90];
	v55 =	vmul.f32 $7.812500000e-03, v7;
	v56 =	vmul.f32 v50, v50;
	v59 =	vshra.s32 v4, $0x1  }
0xf5: {  	v26 =	vmovc v29;
	v27 =	vld [tilespmem:$0x1FEA0];
	v48 =	vsub.f32 v48, v50;
	v60 =	vmul.f32 $5.000000000e-01, v4;
	[tilespmem:v20+s23+$0x70 ss:$0x1] =	vst.idx.msk $0xffff, v5;
	s23 =	smov.u32 s21;
	s21 =	smov.u32 s25;
	s25 =	sadd.s32 $0x100, s25;
	v59 =	vsub.s32 $0x5F3759DF, v59  }
0xf6: {  	_ = 	snop  }
0xf7: {  	v4 =	vmul.f32 v59, v60;
	_ =	sdelay $0x1  }
0xf8: {  	v4 =	vmul.f32 v59, v4;
	_ =	sdelay $0x1  }
0xf9: {  	v4 =	vsub.f32 $1.500000000e+00, v4;
	_ =	sdelay $0x1  }
0xfa: {  	v4 =	vmul.f32 v59, v4;
	_ =	sdelay $0x1  }
0xfb: {  	v7 =	vmul.f32 v4, v60;
	_ =	sdelay $0x1  }
0xfc: {  	v7 =	vmul.f32 v7, v4  }
0xfd: {  	v8 =	vsub.f32 v36, v50;
	v36 =	vld [tilespmem:$0x1FF00]  }
0xfe: {  	v7 =	vsub.f32 $1.500000000e+00, v7;
	_ =	sdelay $0x1  }
0xff: {  	v4 =	vmul.f32 v7, v4  }
0x100: {  	v13 =	vmul.f32 v51, v27;
	v51 =	vld [tilespmem:$0x1FF50]  }
0x101: {  	v5 =	vsub.f32 v55, v56;
	v0 =	vld [tilespmem:$0x1FF10];
	v7 =	vsub.f32 v26, v49;
	v56 =	vmul.f32 v4, v36  }
0x102: {  	v21 =	vld [tilespmem:$0x1FF20]  }
0x103: {  	v18 =	vsub.f32 v25, v49;
	v25 =	vld [tilespmem:$0x1FF40];
	v7 =	vmul.f32 v56, v7  }
0x104: {  	v23 =	vld [tilespmem:$0x1FF60]  }
0x105: {  	v55 =	vld [tilespmem:$0x1FF80];
	v7 =	vadd.f32 v7, v51  }
0x106: {  	v15 =	vmul.f32 v53, v24;
	v24 =	vld [tilespmem:$0x1FF30]  }
0x107: {  	v53 =	vld [tilespmem:$0x1FF70];
	[tilespmem:v20+s21+$0x80 ss:$0x1] =	vst.idx.msk $0xffff, v7  }
0x108: {  	v17 =	vsub.f32 v28, v49;
	v57 =	vmul.f32 v4, v0;
	v56 =	vld [tilespmem:$0x1FFA0]  }
0x109: {  	v5 =	vmax.f32 v5, $0.0e+00;
	v29 =	vmul.f32 v4, v21  }
0x10a: {  	v5 =	vadd.f32 $9.999999960e-13, v5;
	v17 =	vmul.f32 v57, v17  }
0x10b: {  	v18 =	vmul.f32 v29, v18  }
0x10c: {  	v58 =	vsub.f32 v34, v49;
	v16 =	vshra.s32 v5, $0x1;
	v17 =	vadd.f32 v17, v55  }
0x10d: {  	v5 =	vmul.f32 $5.000000000e-01, v5;
	v60 =	vmul.f32 v4, v25;
	v7 =	vadd.f32 v18, v56  }
0x10e: {  	v16 =	vsub.s32 $0x5F3759DF, v16;
	v57 =	vld [tilespmem:$0x1FF90];
	[tilespmem:v20+s21+$0x90 ss:$0x1] =	vst.idx.msk $0xffff, v17  }
0x10f: {  	v63 =	vmul.f32 v16, v5;
	v18 =	vmul.f32 v60, v58;
	v58 =	vld [tilespmem:$0x1FFB0];
	[tilespmem:v20+s21+$0xA0 ss:$0x1] =	vst.idx.msk $0xffff, v7  }
0x110: {  	v6 =	vsub.f32 v33, v50;
	v19 =	vsub.f32 v32, v49;
	v59 =	vmul.f32 v4, v24;
	v60 =	vld [tilespmem:$0x1FFC0]  }
0x111: {  	v31 =	vsub.f32 v35, v49;
	v32 =	vsub.f32 v37, v49;
	v33 =	vmul.f32 v16, v63  }
0x112: {  	v61 =	vsub.f32 v40, v49;
	v49 =	vmul.f32 v4, v23;
	v19 =	vmul.f32 v59, v19  }
0x113: {  	v17 =	vsub.f32 $1.500000000e+00, v33  }
0x114: {  	v11 =	vmul.f32 v54, v30;
	v59 =	vmul.f32 v49, v31;
	v19 =	vadd.f32 v19, v58  }
0x115: {  	v54 =	vmul.f32 v4, v53;
	v16 =	vmul.f32 v16, v17;
	v7 =	vadd.f32 v18, v60  }
0x116: {  	v17 =	vadd.f32 v59, v62;
	v4 =	vmul.f32 v4, v57;
	[tilespmem:v20+s21+$0xB0 ss:$0x1] =	vst.idx.msk $0xffff, v19  }
0x117: {  	[tilespmem:v20+s21+$0xC0 ss:$0x1] =	vst.idx.msk $0xffff, v7  }
0x118: {  	v4 =	vmul.f32 v4, v61;
	v61 =	vld [tilespmem:$0x1FFD0];
	[tilespmem:v20+s21+$0xD0 ss:$0x1] =	vst.idx.msk $0xffff, v17  }
0x119: {  	v63 =	vld [tilespmem:$0x1FFE0];
	_ =	sdelay $0x1  }
0x11a: {  	v18 =	vmul.f32 v54, v32;
	_ =	sdelay $0x1  }
0x11b: {  	v5 =	vmul.f32 v16, v5;
	v7 =	vadd.f32 v18, v61  }
0x11c: {  	v4 =	vadd.f32 v4, v63  }
0x11d: {  	v11 =	vadd.f32 v11, v51;
	v5 =	vmul.f32 v5, v16;
	[tilespmem:v20+s21+$0xE0 ss:$0x1] =	vst.idx.msk $0xffff, v7  }
0x11e: {  	v13 =	vadd.f32 v13, v55;
	[tilespmem:v20+s21+$0xF0 ss:$0x1] =	vst.idx.msk $0xffff, v4  }
0x11f: {  	v5 =	vsub.f32 $1.500000000e+00, v5;
	v7 =	vmul.f32 v52, v22;
	v4 =	vld [tilespmem:$0x1FEB0];
	[tilespmem:v20+s23+$0x0 ss:$0x1] =	vst.idx.msk $0xffff, v11;
	v11 =	vadd.f32 v15, v56  }
0x120: {  	v15 =	vld [tilespmem:$0x1FEC0];
	[tilespmem:v20+s23+$0x10 ss:$0x1] =	vst.idx.msk $0xffff, v13  }
0x121: {  	v5 =	vmul.f32 v5, v16;
	v7 =	vadd.f32 v7, v58;
	[tilespmem:v20+s23+$0x20 ss:$0x1] =	vst.idx.msk $0xffff, v11  }
0x122: {  	v9 =	vsub.f32 v38, v50;
	v10 =	vsub.f32 v41, v50;
	v11 =	vld [tilespmem:$0x1FED0]  }
0x123: {  	v16 =	vmul.f32 v5, v21;
	v13 =	vld [tilespmem:$0x1FEE0];
	[tilespmem:v20+s23+$0x30 ss:$0x1] =	vst.idx.msk $0xffff, v7;
	v7 =	vmul.f32 v5, v36  }
0x124: {  	v12 =	vsub.f32 v42, v50;
	v19 =	vmul.f32 v5, v25;
	v4 =	vmul.f32 v46, v4  }
0x125: {  	v14 =	vsub.f32 v43, v50;
	v8 =	vmul.f32 v16, v8;
	v7 =	vmul.f32 v7, v48  }
0x126: {  	v10 =	vmul.f32 v19, v10;
	v15 =	vmul.f32 v47, v15;
	v4 =	vadd.f32 v4, v60  }
0x127: {  	v17 =	vmul.f32 v5, v24;
	v7 =	vadd.f32 v7, v51;
	v11 =	vmul.f32 v44, v11  }
0x128: {  	[tilespmem:v20+s23+$0x40 ss:$0x1] =	vst.idx.msk $0xffff, v4;
	v4 =	vadd.f32 v15, v62;
	v15 =	vmul.f32 v5, v0  }
0x129: {  	v9 =	vmul.f32 v17, v9;
	v18 =	vsub.f32 v39, v50;
	v13 =	vmul.f32 v45, v13  }
0x12a: {  	[tilespmem:v20+s21+$0x0 ss:$0x1] =	vst.idx.msk $0xffff, v7;
	v11 =	vadd.f32 v11, v61;
	v6 =	vmul.f32 v15, v6  }
0x12b: {  	v7 =	vadd.f32 v8, v56;
	v13 =	vadd.f32 v13, v63;
	[tilespmem:v20+s23+$0x50 ss:$0x1] =	vst.idx.msk $0xffff, v4  }
0x12c: {  	v4 =	vmul.f32 v5, v23;
	[tilespmem:v20+s23+$0x60 ss:$0x1] =	vst.idx.msk $0xffff, v11;
	v6 =	vadd.f32 v6, v55  }
0x12d: {  	v8 =	vadd.f32 v9, v58;
	v11 =	vmul.f32 v5, v53;
	[tilespmem:v20+s23+$0x70 ss:$0x1] =	vst.idx.msk $0xffff, v13  }
0x12e: {  	v5 =	vmul.f32 v5, v57;
	v4 =	vmul.f32 v4, v12;
	[tilespmem:v20+s21+$0x10 ss:$0x1] =	vst.idx.msk $0xffff, v6  }
0x12f: {  	v9 =	vadd.f32 v10, v60;
	v6 =	vmul.f32 v11, v14;
	[tilespmem:v20+s21+$0x20 ss:$0x1] =	vst.idx.msk $0xffff, v7  }
0x130: {  	v5 =	vmul.f32 v5, v18;
	v4 =	vadd.f32 v4, v62;
	[tilespmem:v20+s21+$0x30 ss:$0x1] =	vst.idx.msk $0xffff, v8  }
0x131: {  	s19 =	sshll.u32 s19, $0xE;
	p0 =	sne.s32 s18, $0xC8;
	v6 =	vadd.f32 v6, v61;
	[tilespmem:v20+s21+$0x40 ss:$0x1] =	vst.idx.msk $0xffff, v9  }
.Ltmp1:
0x132: {  	s19 =	sadd.s32 s8, s19;
	[tilespmem:v20+s21+$0x50 ss:$0x1] =	vst.idx.msk $0xffff, v4;
	v4 =	vadd.f32 v5, v63;
	(pc) =	sbr.rel @p0 .LBB2_2-.Ltmp1, $4  }
0x133: {  	s19 =	sshrl.u32 s19, $0x3;
	v16 =	vmov v60;
	[tilespmem:v20+s21+$0x60 ss:$0x1] =	vst.idx.msk $0xffff, v6  }
0x134: {  	s20 =	sadd.s32 $0x4, s20;
	s19 =	sadd.s32 s5, s19;
	v17 =	vmovc v61;
	v10 =	vmovc v53;
	v12 =	vmov v51;
	v15 =	vmov v58;
	v13 =	vmov v55;
	[tilespmem:v20+s21+$0x70 ss:$0x1] =	vst.idx.msk $0xffff, v4  }
0x135: {  	v18 =	vmovc v63;
	v14 =	vmovc v56;
	v7 =	vmov v24;
	v11 =	vmov v57;
	v8 =	vmov v25;
	[hbm4b:s19+s6] =	stream.linear.scatter [tilespmem:s22], [sflag:s20], $0x4000, $0x38;
	[tilespmem:$0x12500] =	vst v63  }
0x136: {  	s17 =	sadd.s32 $0x4000, s17;
	v9 =	vmovc v23;
	v5 =	vmovc v0;
	v0 =	vmov v1;
	v6 =	vmov v21;
	s19 =	smov.u32 s18;
	v1 =	vld [tilespmem:$0x1FFF0];
	v4 =	vmov v36  }
0x137: {  	s16 =	sadd.s32 $0x1, s16  }
0x138: {  	_ =	swait.ge [sflag:s14], $0x4000;
	p0 =	sne.s32 s16, s9  }
.Ltmp2:
0x139: {  	[sflag:s14] =	ssyncset.done $0x0;
	(pc) =	sbr.rel @p0 .LBB2_1-.Ltmp2, $4  }
0x13a: {  	[sflag:s14] =	ssyncadd.s32 $0xFFFFC000  }
0x13b: {  	_ =	swait.ge [sflag:s15], $0x4000  }
0x13c: {  	[sflag:s15] =	ssyncset.done $0x0  }
0x13d: {  	[sflag:s15] =	ssyncadd.s32 $0xFFFFC000  }
0x13e: {  	_ =	sfence.sel $0x180000  }
0x13f: {  	[bflag:$0x0] =	sbarrier.arrive $0xFFFF  }
0x140: {  	p0 =	sne.s32 s0, $0x0;
	_ =	strace $0x90000047  }
0x141: {  	s0 =	sadd.s32 @!p0 $0x100000, s4;
	[bflag:$0x2] =	sbarrier.arrive $0xFFFF  }
0x142: {  	[sflag:s0] =	ssyncadd.tile.s32 @!p0 $0x1;
	_ =	shalt  }
.Lfunc_end2:
_tile_overlayer_lowered:
.L_overlay_start_2:
0x143: {  	(tag) =	ssettag $0x2  }
0x144: {  	s0 =	rddreg [dreg:$0x0];
	s2 =	stileid.u32  }
0x145: {  	s1 =	rddreg [dreg:$0x1];
	p0 =	sne.s32 s2, $0x0  }
0x146: {  	s3 =	rddreg [dreg:$0x2];
	[bflag:$0x3] =	sbarrier.arrive $0xFFFF;
	s2 =	simm.s32 @!p0 $0x1C07  }
0x147: {  	[timem:s3], [sflag:s2] =	dma.local @!p0 [hbm:s0], s1  }
0x148: {  	s0 =	simm.s32 @!p0 $0x7  }
0x149: {  	_ =	swait.ge @!p0 [sflag:s0], s1  }
0x14a: {  	s1 =	ssub.s32 @!p0 $0x0, s1;
	[sflag:s0] =	ssyncset.done @!p0 $0x0  }
0x14b: {  	[sflag:s0] =	ssyncadd.s32 @!p0 s1  }
0x14c: {  	[bflag:$0x3] =	sbarrier.arrive $0xFFFF  }
0x14d: {  	_ =	shalt  }

</sc_bundles>
